<compile_context>
chip_gen: v7x
topology: tpu7x:2x2x1
jax: 0.10.2.dev20260603
libtpu: 0.0.44.dev20260713+nightly
codegen_flags: <defaults>
</compile_context>

<pallas_src>
import functools

import jax
import jax.numpy as jnp
from jax import lax
from jax.experimental import pallas as pl
from jax.experimental.pallas import tpu as pltpu
from jax.experimental.pallas import tpu_sc as plsc

DIM = 128
LANES = 16
GROUPS = DIM // LANES
CHUNK = 64
NBI = 4
NBO = 4


@functools.partial(jax.jit, static_argnames=("rows",))
def _sc_permute(xf, perm_f, rows):
    info = plsc.get_sparse_core_info()
    nc, ns = info.num_cores, info.num_subcores
    nw = nc * ns
    rows_per_w = rows // nw
    n_chunks = rows_per_w // CHUNK
    cw = CHUNK * DIM
    assert n_chunks % NBO == 0 and n_chunks >= 2 * NBO

    mesh = plsc.VectorSubcoreMesh(core_axis_name="c", subcore_axis_name="s")

    @functools.partial(
        pl.kernel,
        out_type=jax.ShapeDtypeStruct((rows * DIM,), jnp.float32),
        mesh=mesh,
        scratch_types=[
            pltpu.VMEM((DIM,), jnp.float32),
            [pltpu.VMEM((cw,), jnp.float32) for _ in range(NBI)],
            [pltpu.VMEM((cw,), jnp.float32) for _ in range(NBO)],
            [pltpu.SemaphoreType.DMA for _ in range(NBI)],
            [pltpu.SemaphoreType.DMA for _ in range(NBO)],
        ],
        compiler_params=pltpu.CompilerParams(needs_layout_passes=False),
    )
    def body(x_hbm, p_hbm, o_hbm, p_v, in_v, out_v, s_in, s_out):
        wid = lax.axis_index("s") * nc + lax.axis_index("c")
        pltpu.sync_copy(p_hbm, p_v)
        idx_g = [
            p_v[pl.ds(g * LANES, LANES)].astype(jnp.int32) for g in range(GROUPS)
        ]
        w_base = wid * rows_per_w * DIM

        def start_in(ci, b):
            pltpu.async_copy(x_hbm.at[pl.ds(w_base + ci * cw, cw)], in_v[b], s_in[b])

        def wait_in(b):
            pltpu.make_async_copy(x_hbm.at[pl.ds(0, cw)], in_v[b], s_in[b]).wait()

        def start_out(ci, b):
            pltpu.async_copy(out_v[b], o_hbm.at[pl.ds(w_base + ci * cw, cw)], s_out[b])

        def wait_out(b):
            pltpu.make_async_copy(out_v[b], o_hbm.at[pl.ds(0, cw)], s_out[b]).wait()

        def compute(bi, bo):
            @plsc.parallel_loop(0, CHUNK, step=1, unroll=2)
            def _(r):
                rb = r * DIM
                in_row = in_v[bi].at[pl.ds(rb, DIM)]
                out_row = out_v[bo].at[pl.ds(rb, DIM)]
                vals = [plsc.load_gather(in_row, [idx_g[g]]) for g in range(GROUPS)]
                for g in range(GROUPS):
                    out_row[pl.ds(g * LANES, LANES)] = vals[g]

        for b in range(NBI):
            start_in(b, b)
        for ci in range(NBO):
            wait_in(ci % NBI)
            compute(ci % NBI, ci % NBO)
            start_out(ci, ci % NBO)
            start_in(ci + NBI, ci % NBI)

        def steady(k, _):
            for j in range(NBO):
                ci = NBO * k + j
                wait_in(j % NBI)
                wait_out(j)
                compute(j % NBI, j)
                start_out(ci, j)
                start_in(ci + NBI, j % NBI)
            return 0

        lax.fori_loop(1, n_chunks // NBO - 1, steady, 0)

        for j in range(NBO):
            ci = n_chunks - NBO + j
            wait_in(j % NBI)
            wait_out(j)
            compute(j % NBI, j)
            start_out(ci, j)
            if ci + NBI < n_chunks:
                start_in(ci + NBI, j % NBI)
        for j in range(NBO):
            wait_out(j)

    return body(xf, perm_f)


def kernel(x, permutation_matrix):
    b, h, s, d = x.shape
    rows = b * h * s
    xf = x.reshape(rows * d)
    out = _sc_permute(xf, permutation_matrix, rows)
    return out.reshape(x.shape)

# --- scband reference (transcript-rebuilt; emitter-appended) ---
"""Pipeline reference for scband-permutation-3229815406982 (READ-ONLY COPY).

The authoritative reference and input builder live on the scoring server;
editing this copy changes nothing except your own understanding.
"""

import jax, jax.numpy as jnp
import numpy as np

DIM = 128

def setup_inputs(seed: int = 0) -> dict:
    key = jax.random.key(seed)
    kx, = jax.random.split(key, 1)
    x = jax.random.normal(kx, (4, 16, 4096, DIM), dtype=jnp.float32)
    # learned parameter: permutation stored as float (as in the torch module init)
    permutation_matrix = jnp.arange(DIM, dtype=jnp.float32)
    return {"x": x, "permutation_matrix": permutation_matrix}

def reference(x, permutation_matrix):
    # cast float parameter to integer indices (matches .to(torch.long))
    idx = permutation_matrix.astype(jnp.int32)  # [dim]
    # torch.gather(x, 3, idx broadcast to x.shape[:3] + [dim]) is equivalent to
    # indexing the last axis with idx for every (b, h, s) position.
    x_permuted = jnp.take(x, idx, axis=3)
    return x_permuted

if __name__ == "__main__":
    import jax
    _d = setup_inputs()
    print(jax.jit(kernel)(*tuple(_d.values())))

</pallas_src>

<mosaic_0001>
#map = affine_map<(d0, d1) -> (0)>
module attributes {stable_mosaic.version = 14 : i64} {
  func.func @body(%arg0: i32, %arg1: i32, %arg2: memref<33554432xf32, #tpu.memory_space<hbm>>, %arg3: memref<128xf32, #tpu.memory_space<hbm>>, %arg4: memref<33554432xf32, #tpu.memory_space<hbm>>, %arg5: memref<128xf32, #tpu.memory_space<vmem>>, %arg6: memref<8192xf32, #tpu.memory_space<vmem>>, %arg7: memref<8192xf32, #tpu.memory_space<vmem>>, %arg8: memref<8192xf32, #tpu.memory_space<vmem>>, %arg9: memref<8192xf32, #tpu.memory_space<vmem>>, %arg10: memref<8192xf32, #tpu.memory_space<vmem>>, %arg11: memref<8192xf32, #tpu.memory_space<vmem>>, %arg12: memref<8192xf32, #tpu.memory_space<vmem>>, %arg13: memref<8192xf32, #tpu.memory_space<vmem>>, %arg14: memref<!tpu.dma_semaphore, #tpu.memory_space<semaphore_mem>>, %arg15: memref<!tpu.dma_semaphore, #tpu.memory_space<semaphore_mem>>, %arg16: memref<!tpu.dma_semaphore, #tpu.memory_space<semaphore_mem>>, %arg17: memref<!tpu.dma_semaphore, #tpu.memory_space<semaphore_mem>>, %arg18: memref<!tpu.dma_semaphore, #tpu.memory_space<semaphore_mem>>, %arg19: memref<!tpu.dma_semaphore, #tpu.memory_space<semaphore_mem>>, %arg20: memref<!tpu.dma_semaphore, #tpu.memory_space<semaphore_mem>>, %arg21: memref<!tpu.dma_semaphore, #tpu.memory_space<semaphore_mem>>) attributes {dimension_semantics = [#tpu.dimension_semantics<core_parallel>, #tpu.dimension_semantics<subcore_parallel>], iteration_bounds = array<i64: 2, 16>, scalar_prefetch = 0 : i64, scratch_operands = 17 : i64, tpu.core_type = #tpu.core_type<sc_vector_subcore>, window_params = [{transform_indices = #map}, {transform_indices = #map}, {transform_indices = #map}]} {
    %mul3A = arith.constant 2 : i32
    %mul3A_0 = arith.muli %arg1, %mul3A : i32
    %add3A = arith.addi %mul3A_0, %arg0 : i32
    "tpu.region"() ({
      %run_scoped3A = tpu.sem_alloc : memref<!tpu.dma_semaphore, #tpu.memory_space<semaphore_mem>>
      tpu.enqueue_dma source(%arg3 : memref<128xf32, #tpu.memory_space<hbm>>) target(%arg5 : memref<128xf32, #tpu.memory_space<vmem>>) target_semaphore(%run_scoped3A : memref<!tpu.dma_semaphore, #tpu.memory_space<semaphore_mem>>)
      tpu.wait_dma2 semaphore(%run_scoped3A : memref<!tpu.dma_semaphore, #tpu.memory_space<semaphore_mem>>) src(%arg3 : memref<128xf32, #tpu.memory_space<hbm>>) dst(%arg5 : memref<128xf32, #tpu.memory_space<vmem>>)
      tpu.yield
    }) : () -> ()
    %get3A = arith.constant 0 : index
    %get3A_1 = tpu.vector_load %arg5[%get3A] {strides = array<i32>} : memref<128xf32, #tpu.memory_space<vmem>>, vector<16xf32>,
    %convert_element_type3A = arith.fptosi %get3A_1 : vector<16xf32> to vector<16xi32>
    %get3A_2 = arith.constant 16 : index
    %get3A_3 = tpu.vector_load %arg5[%get3A_2] {strides = array<i32>} : memref<128xf32, #tpu.memory_space<vmem>>, vector<16xf32>,
    %convert_element_type3A_4 = arith.fptosi %get3A_3 : vector<16xf32> to vector<16xi32>
    %get3A_5 = arith.constant 32 : index
    %get3A_6 = tpu.vector_load %arg5[%get3A_5] {strides = array<i32>} : memref<128xf32, #tpu.memory_space<vmem>>, vector<16xf32>,
    %convert_element_type3A_7 = arith.fptosi %get3A_6 : vector<16xf32> to vector<16xi32>
    %get3A_8 = arith.constant 48 : index
    %get3A_9 = tpu.vector_load %arg5[%get3A_8] {strides = array<i32>} : memref<128xf32, #tpu.memory_space<vmem>>, vector<16xf32>,
    %convert_element_type3A_10 = arith.fptosi %get3A_9 : vector<16xf32> to vector<16xi32>
    %get3A_11 = arith.constant 64 : index
    %get3A_12 = tpu.vector_load %arg5[%get3A_11] {strides = array<i32>} : memref<128xf32, #tpu.memory_space<vmem>>, vector<16xf32>,
    %convert_element_type3A_13 = arith.fptosi %get3A_12 : vector<16xf32> to vector<16xi32>
    %get3A_14 = arith.constant 80 : index
    %get3A_15 = tpu.vector_load %arg5[%get3A_14] {strides = array<i32>} : memref<128xf32, #tpu.memory_space<vmem>>, vector<16xf32>,
    %convert_element_type3A_16 = arith.fptosi %get3A_15 : vector<16xf32> to vector<16xi32>
    %get3A_17 = arith.constant 96 : index
    %get3A_18 = tpu.vector_load %arg5[%get3A_17] {strides = array<i32>} : memref<128xf32, #tpu.memory_space<vmem>>, vector<16xf32>,
    %convert_element_type3A_19 = arith.fptosi %get3A_18 : vector<16xf32> to vector<16xi32>
    %get3A_20 = arith.constant 112 : index
    %get3A_21 = tpu.vector_load %arg5[%get3A_20] {strides = array<i32>} : memref<128xf32, #tpu.memory_space<vmem>>, vector<16xf32>,
    %convert_element_type3A_22 = arith.fptosi %get3A_21 : vector<16xf32> to vector<16xi32>
    %mul3A_23 = arith.constant 8192 : i32
    %mul3A_24 = arith.muli %add3A, %mul3A_23 : i32
    %mul3A_25 = arith.constant 128 : i32
    %mul3A_26 = arith.muli %mul3A_24, %mul3A_25 : i32
    %add3A_27 = arith.constant 0 : i32
    %add3A_28 = arith.addi %mul3A_26, %add3A_27 : i32
    %dma_start3A = tpu.memref_slice %arg2[%add3A_28] : memref<33554432xf32, #tpu.memory_space<hbm>> -> memref<8192xf32, #tpu.memory_space<hbm>>
    %dma_start3A_29 = tpu.memref_slice %arg2[%add3A_28] : memref<33554432xf32, #tpu.memory_space<hbm>> -> memref<8192xf32, #tpu.memory_space<hbm>>
    tpu.enqueue_dma source(%dma_start3A_29 : memref<8192xf32, #tpu.memory_space<hbm>>) target(%arg6 : memref<8192xf32, #tpu.memory_space<vmem>>) target_semaphore(%arg14 : memref<!tpu.dma_semaphore, #tpu.memory_space<semaphore_mem>>)
    %add3A_30 = arith.constant 8192 : i32
    %add3A_31 = arith.addi %mul3A_26, %add3A_30 : i32
    %dma_start3A_32 = tpu.memref_slice %arg2[%add3A_31] : memref<33554432xf32, #tpu.memory_space<hbm>> -> memref<8192xf32, #tpu.memory_space<hbm>>
    %dma_start3A_33 = tpu.memref_slice %arg2[%add3A_31] : memref<33554432xf32, #tpu.memory_space<hbm>> -> memref<8192xf32, #tpu.memory_space<hbm>>
    tpu.enqueue_dma source(%dma_start3A_33 : memref<8192xf32, #tpu.memory_space<hbm>>) target(%arg7 : memref<8192xf32, #tpu.memory_space<vmem>>) target_semaphore(%arg15 : memref<!tpu.dma_semaphore, #tpu.memory_space<semaphore_mem>>)
    %add3A_34 = arith.constant 16384 : i32
    %add3A_35 = arith.addi %mul3A_26, %add3A_34 : i32
    %dma_start3A_36 = tpu.memref_slice %arg2[%add3A_35] : memref<33554432xf32, #tpu.memory_space<hbm>> -> memref<8192xf32, #tpu.memory_space<hbm>>
    %dma_start3A_37 = tpu.memref_slice %arg2[%add3A_35] : memref<33554432xf32, #tpu.memory_space<hbm>> -> memref<8192xf32, #tpu.memory_space<hbm>>
    tpu.enqueue_dma source(%dma_start3A_37 : memref<8192xf32, #tpu.memory_space<hbm>>) target(%arg8 : memref<8192xf32, #tpu.memory_space<vmem>>) target_semaphore(%arg16 : memref<!tpu.dma_semaphore, #tpu.memory_space<semaphore_mem>>)
    %add3A_38 = arith.constant 24576 : i32
    %add3A_39 = arith.addi %mul3A_26, %add3A_38 : i32
    %dma_start3A_40 = tpu.memref_slice %arg2[%add3A_39] : memref<33554432xf32, #tpu.memory_space<hbm>> -> memref<8192xf32, #tpu.memory_space<hbm>>
    %dma_start3A_41 = tpu.memref_slice %arg2[%add3A_39] : memref<33554432xf32, #tpu.memory_space<hbm>> -> memref<8192xf32, #tpu.memory_space<hbm>>
    tpu.enqueue_dma source(%dma_start3A_41 : memref<8192xf32, #tpu.memory_space<hbm>>) target(%arg9 : memref<8192xf32, #tpu.memory_space<vmem>>) target_semaphore(%arg17 : memref<!tpu.dma_semaphore, #tpu.memory_space<semaphore_mem>>)
    %dma_wait3A = arith.constant 0 : i32
    %dma_wait3A_42 = tpu.memref_slice %arg2[%dma_wait3A] : memref<33554432xf32, #tpu.memory_space<hbm>> -> memref<8192xf32, #tpu.memory_space<hbm>>
    %dma_wait3A_43 = arith.constant 0 : i32
    %dma_wait3A_44 = tpu.memref_slice %arg2[%dma_wait3A_43] : memref<33554432xf32, #tpu.memory_space<hbm>> -> memref<8192xf32, #tpu.memory_space<hbm>>
    tpu.wait_dma2 semaphore(%arg14 : memref<!tpu.dma_semaphore, #tpu.memory_space<semaphore_mem>>) src(%dma_wait3A_44 : memref<8192xf32, #tpu.memory_space<hbm>>) dst(%arg6 : memref<8192xf32, #tpu.memory_space<vmem>>)
    %parallel_loop3A = arith.constant 0 : i32
    %parallel_loop3A_45 = arith.constant 64 : i32
    %parallel_loop3A_46 = arith.constant 1 : i32
    scf.for %parallel_loop3A_182 = %parallel_loop3A to %parallel_loop3A_45 step %parallel_loop3A_46  : i32 {
      %parallel_loop3A_183 = arith.constant 128 : i32
      %parallel_loop3A_184 = arith.muli %parallel_loop3A_182, %parallel_loop3A_183 : i32
      %parallel_loop3A_185 = tpu.memref_slice %arg6[%parallel_loop3A_184] : memref<8192xf32, #tpu.memory_space<vmem>> -> memref<128xf32, #tpu.memory_space<vmem>>
      %parallel_loop3A_186 = tpu.vector_load_idx %parallel_loop3A_185[%convert_element_type3A] : memref<128xf32, #tpu.memory_space<vmem>>[vector<16xi32>], vector<16xf32>,
      %parallel_loop3A_187 = tpu.memref_slice %arg6[%parallel_loop3A_184] : memref<8192xf32, #tpu.memory_space<vmem>> -> memref<128xf32, #tpu.memory_space<vmem>>
      %parallel_loop3A_188 = tpu.vector_load_idx %parallel_loop3A_187[%convert_element_type3A_4] : memref<128xf32, #tpu.memory_space<vmem>>[vector<16xi32>], vector<16xf32>,
      %parallel_loop3A_189 = tpu.memref_slice %arg6[%parallel_loop3A_184] : memref<8192xf32, #tpu.memory_space<vmem>> -> memref<128xf32, #tpu.memory_space<vmem>>
      %parallel_loop3A_190 = tpu.vector_load_idx %parallel_loop3A_189[%convert_element_type3A_7] : memref<128xf32, #tpu.memory_space<vmem>>[vector<16xi32>], vector<16xf32>,
      %parallel_loop3A_191 = tpu.memref_slice %arg6[%parallel_loop3A_184] : memref<8192xf32, #tpu.memory_space<vmem>> -> memref<128xf32, #tpu.memory_space<vmem>>
      %parallel_loop3A_192 = tpu.vector_load_idx %parallel_loop3A_191[%convert_element_type3A_10] : memref<128xf32, #tpu.memory_space<vmem>>[vector<16xi32>], vector<16xf32>,
      %parallel_loop3A_193 = tpu.memref_slice %arg6[%parallel_loop3A_184] : memref<8192xf32, #tpu.memory_space<vmem>> -> memref<128xf32, #tpu.memory_space<vmem>>
      %parallel_loop3A_194 = tpu.vector_load_idx %parallel_loop3A_193[%convert_element_type3A_13] : memref<128xf32, #tpu.memory_space<vmem>>[vector<16xi32>], vector<16xf32>,
      %parallel_loop3A_195 = tpu.memref_slice %arg6[%parallel_loop3A_184] : memref<8192xf32, #tpu.memory_space<vmem>> -> memref<128xf32, #tpu.memory_space<vmem>>
      %parallel_loop3A_196 = tpu.vector_load_idx %parallel_loop3A_195[%convert_element_type3A_16] : memref<128xf32, #tpu.memory_space<vmem>>[vector<16xi32>], vector<16xf32>,
      %parallel_loop3A_197 = tpu.memref_slice %arg6[%parallel_loop3A_184] : memref<8192xf32, #tpu.memory_space<vmem>> -> memref<128xf32, #tpu.memory_space<vmem>>
      %parallel_loop3A_198 = tpu.vector_load_idx %parallel_loop3A_197[%convert_element_type3A_19] : memref<128xf32, #tpu.memory_space<vmem>>[vector<16xi32>], vector<16xf32>,
      %parallel_loop3A_199 = tpu.memref_slice %arg6[%parallel_loop3A_184] : memref<8192xf32, #tpu.memory_space<vmem>> -> memref<128xf32, #tpu.memory_space<vmem>>
      %parallel_loop3A_200 = tpu.vector_load_idx %parallel_loop3A_199[%convert_element_type3A_22] : memref<128xf32, #tpu.memory_space<vmem>>[vector<16xi32>], vector<16xf32>,
      %parallel_loop3A_201 = tpu.memref_slice %arg10[%parallel_loop3A_184] : memref<8192xf32, #tpu.memory_space<vmem>> -> memref<128xf32, #tpu.memory_space<vmem>>
      %parallel_loop3A_202 = arith.constant 0 : index
      %parallel_loop3A_203 = tpu.vector_load %parallel_loop3A_201[%parallel_loop3A_202] {strides = array<i32>} : memref<128xf32, #tpu.memory_space<vmem>>, vector<16xf32>,
      tpu.vector_store %parallel_loop3A_201[%parallel_loop3A_202], %parallel_loop3A_186 {strides = array<i32>} : memref<128xf32, #tpu.memory_space<vmem>>, vector<16xf32>,
      %parallel_loop3A_204 = tpu.memref_slice %arg10[%parallel_loop3A_184] : memref<8192xf32, #tpu.memory_space<vmem>> -> memref<128xf32, #tpu.memory_space<vmem>>
      %parallel_loop3A_205 = arith.constant 16 : index
      %parallel_loop3A_206 = tpu.vector_load %parallel_loop3A_204[%parallel_loop3A_205] {strides = array<i32>} : memref<128xf32, #tpu.memory_space<vmem>>, vector<16xf32>,
      tpu.vector_store %parallel_loop3A_204[%parallel_loop3A_205], %parallel_loop3A_188 {strides = array<i32>} : memref<128xf32, #tpu.memory_space<vmem>>, vector<16xf32>,
      %parallel_loop3A_207 = tpu.memref_slice %arg10[%parallel_loop3A_184] : memref<8192xf32, #tpu.memory_space<vmem>> -> memref<128xf32, #tpu.memory_space<vmem>>
      %parallel_loop3A_208 = arith.constant 32 : index
      %parallel_loop3A_209 = tpu.vector_load %parallel_loop3A_207[%parallel_loop3A_208] {strides = array<i32>} : memref<128xf32, #tpu.memory_space<vmem>>, vector<16xf32>,
      tpu.vector_store %parallel_loop3A_207[%parallel_loop3A_208], %parallel_loop3A_190 {strides = array<i32>} : memref<128xf32, #tpu.memory_space<vmem>>, vector<16xf32>,
      %parallel_loop3A_210 = tpu.memref_slice %arg10[%parallel_loop3A_184] : memref<8192xf32, #tpu.memory_space<vmem>> -> memref<128xf32, #tpu.memory_space<vmem>>
      %parallel_loop3A_211 = arith.constant 48 : index
      %parallel_loop3A_212 = tpu.vector_load %parallel_loop3A_210[%parallel_loop3A_211] {strides = array<i32>} : memref<128xf32, #tpu.memory_space<vmem>>, vector<16xf32>,
      tpu.vector_store %parallel_loop3A_210[%parallel_loop3A_211], %parallel_loop3A_192 {strides = array<i32>} : memref<128xf32, #tpu.memory_space<vmem>>, vector<16xf32>,
      %parallel_loop3A_213 = tpu.memref_slice %arg10[%parallel_loop3A_184] : memref<8192xf32, #tpu.memory_space<vmem>> -> memref<128xf32, #tpu.memory_space<vmem>>
      %parallel_loop3A_214 = arith.constant 64 : index
      %parallel_loop3A_215 = tpu.vector_load %parallel_loop3A_213[%parallel_loop3A_214] {strides = array<i32>} : memref<128xf32, #tpu.memory_space<vmem>>, vector<16xf32>,
      tpu.vector_store %parallel_loop3A_213[%parallel_loop3A_214], %parallel_loop3A_194 {strides = array<i32>} : memref<128xf32, #tpu.memory_space<vmem>>, vector<16xf32>,
      %parallel_loop3A_216 = tpu.memref_slice %arg10[%parallel_loop3A_184] : memref<8192xf32, #tpu.memory_space<vmem>> -> memref<128xf32, #tpu.memory_space<vmem>>
      %parallel_loop3A_217 = arith.constant 80 : index
      %parallel_loop3A_218 = tpu.vector_load %parallel_loop3A_216[%parallel_loop3A_217] {strides = array<i32>} : memref<128xf32, #tpu.memory_space<vmem>>, vector<16xf32>,
      tpu.vector_store %parallel_loop3A_216[%parallel_loop3A_217], %parallel_loop3A_196 {strides = array<i32>} : memref<128xf32, #tpu.memory_space<vmem>>, vector<16xf32>,
      %parallel_loop3A_219 = tpu.memref_slice %arg10[%parallel_loop3A_184] : memref<8192xf32, #tpu.memory_space<vmem>> -> memref<128xf32, #tpu.memory_space<vmem>>
      %parallel_loop3A_220 = arith.constant 96 : index
      %parallel_loop3A_221 = tpu.vector_load %parallel_loop3A_219[%parallel_loop3A_220] {strides = array<i32>} : memref<128xf32, #tpu.memory_space<vmem>>, vector<16xf32>,
      tpu.vector_store %parallel_loop3A_219[%parallel_loop3A_220], %parallel_loop3A_198 {strides = array<i32>} : memref<128xf32, #tpu.memory_space<vmem>>, vector<16xf32>,
      %parallel_loop3A_222 = tpu.memref_slice %arg10[%parallel_loop3A_184] : memref<8192xf32, #tpu.memory_space<vmem>> -> memref<128xf32, #tpu.memory_space<vmem>>
      %parallel_loop3A_223 = arith.constant 112 : index
      %parallel_loop3A_224 = tpu.vector_load %parallel_loop3A_222[%parallel_loop3A_223] {strides = array<i32>} : memref<128xf32, #tpu.memory_space<vmem>>, vector<16xf32>,
      tpu.vector_store %parallel_loop3A_222[%parallel_loop3A_223], %parallel_loop3A_200 {strides = array<i32>} : memref<128xf32, #tpu.memory_space<vmem>>, vector<16xf32>,
    } {sc.loop_unroll_factor = 2 : i64, sc.parallel_access}
    %add3A_47 = arith.constant 0 : i32
    %add3A_48 = arith.addi %mul3A_26, %add3A_47 : i32
    %dma_start3A_49 = tpu.memref_slice %arg4[%add3A_48] : memref<33554432xf32, #tpu.memory_space<hbm>> -> memref<8192xf32, #tpu.memory_space<hbm>>
    %dma_start3A_50 = tpu.memref_slice %arg4[%add3A_48] : memref<33554432xf32, #tpu.memory_space<hbm>> -> memref<8192xf32, #tpu.memory_space<hbm>>
    tpu.enqueue_dma source(%arg10 : memref<8192xf32, #tpu.memory_space<vmem>>) target(%dma_start3A_50 : memref<8192xf32, #tpu.memory_space<hbm>>) target_semaphore(%arg18 : memref<!tpu.dma_semaphore, #tpu.memory_space<semaphore_mem>>)
    %add3A_51 = arith.constant 32768 : i32
    %add3A_52 = arith.addi %mul3A_26, %add3A_51 : i32
    %dma_start3A_53 = tpu.memref_slice %arg2[%add3A_52] : memref<33554432xf32, #tpu.memory_space<hbm>> -> memref<8192xf32, #tpu.memory_space<hbm>>
    %dma_start3A_54 = tpu.memref_slice %arg2[%add3A_52] : memref<33554432xf32, #tpu.memory_space<hbm>> -> memref<8192xf32, #tpu.memory_space<hbm>>
    tpu.enqueue_dma source(%dma_start3A_54 : memref<8192xf32, #tpu.memory_space<hbm>>) target(%arg6 : memref<8192xf32, #tpu.memory_space<vmem>>) target_semaphore(%arg14 : memref<!tpu.dma_semaphore, #tpu.memory_space<semaphore_mem>>)
    %dma_wait3A_55 = arith.constant 0 : i32
    %dma_wait3A_56 = tpu.memref_slice %arg2[%dma_wait3A_55] : memref<33554432xf32, #tpu.memory_space<hbm>> -> memref<8192xf32, #tpu.memory_space<hbm>>
    %dma_wait3A_57 = arith.constant 0 : i32
    %dma_wait3A_58 = tpu.memref_slice %arg2[%dma_wait3A_57] : memref<33554432xf32, #tpu.memory_space<hbm>> -> memref<8192xf32, #tpu.memory_space<hbm>>
    tpu.wait_dma2 semaphore(%arg15 : memref<!tpu.dma_semaphore, #tpu.memory_space<semaphore_mem>>) src(%dma_wait3A_58 : memref<8192xf32, #tpu.memory_space<hbm>>) dst(%arg7 : memref<8192xf32, #tpu.memory_space<vmem>>)
    %parallel_loop3A_59 = arith.constant 0 : i32
    %parallel_loop3A_60 = arith.constant 64 : i32
    %parallel_loop3A_61 = arith.constant 1 : i32
    scf.for %parallel_loop3A_182 = %parallel_loop3A_59 to %parallel_loop3A_60 step %parallel_loop3A_61  : i32 {
      %parallel_loop3A_183 = arith.constant 128 : i32
      %parallel_loop3A_184 = arith.muli %parallel_loop3A_182, %parallel_loop3A_183 : i32
      %parallel_loop3A_185 = tpu.memref_slice %arg7[%parallel_loop3A_184] : memref<8192xf32, #tpu.memory_space<vmem>> -> memref<128xf32, #tpu.memory_space<vmem>>
      %parallel_loop3A_186 = tpu.vector_load_idx %parallel_loop3A_185[%convert_element_type3A] : memref<128xf32, #tpu.memory_space<vmem>>[vector<16xi32>], vector<16xf32>,
      %parallel_loop3A_187 = tpu.memref_slice %arg7[%parallel_loop3A_184] : memref<8192xf32, #tpu.memory_space<vmem>> -> memref<128xf32, #tpu.memory_space<vmem>>
      %parallel_loop3A_188 = tpu.vector_load_idx %parallel_loop3A_187[%convert_element_type3A_4] : memref<128xf32, #tpu.memory_space<vmem>>[vector<16xi32>], vector<16xf32>,
      %parallel_loop3A_189 = tpu.memref_slice %arg7[%parallel_loop3A_184] : memref<8192xf32, #tpu.memory_space<vmem>> -> memref<128xf32, #tpu.memory_space<vmem>>
      %parallel_loop3A_190 = tpu.vector_load_idx %parallel_loop3A_189[%convert_element_type3A_7] : memref<128xf32, #tpu.memory_space<vmem>>[vector<16xi32>], vector<16xf32>,
      %parallel_loop3A_191 = tpu.memref_slice %arg7[%parallel_loop3A_184] : memref<8192xf32, #tpu.memory_space<vmem>> -> memref<128xf32, #tpu.memory_space<vmem>>
      %parallel_loop3A_192 = tpu.vector_load_idx %parallel_loop3A_191[%convert_element_type3A_10] : memref<128xf32, #tpu.memory_space<vmem>>[vector<16xi32>], vector<16xf32>,
      %parallel_loop3A_193 = tpu.memref_slice %arg7[%parallel_loop3A_184] : memref<8192xf32, #tpu.memory_space<vmem>> -> memref<128xf32, #tpu.memory_space<vmem>>
      %parallel_loop3A_194 = tpu.vector_load_idx %parallel_loop3A_193[%convert_element_type3A_13] : memref<128xf32, #tpu.memory_space<vmem>>[vector<16xi32>], vector<16xf32>,
      %parallel_loop3A_195 = tpu.memref_slice %arg7[%parallel_loop3A_184] : memref<8192xf32, #tpu.memory_space<vmem>> -> memref<128xf32, #tpu.memory_space<vmem>>
      %parallel_loop3A_196 = tpu.vector_load_idx %parallel_loop3A_195[%convert_element_type3A_16] : memref<128xf32, #tpu.memory_space<vmem>>[vector<16xi32>], vector<16xf32>,
      %parallel_loop3A_197 = tpu.memref_slice %arg7[%parallel_loop3A_184] : memref<8192xf32, #tpu.memory_space<vmem>> -> memref<128xf32, #tpu.memory_space<vmem>>
      %parallel_loop3A_198 = tpu.vector_load_idx %parallel_loop3A_197[%convert_element_type3A_19] : memref<128xf32, #tpu.memory_space<vmem>>[vector<16xi32>], vector<16xf32>,
      %parallel_loop3A_199 = tpu.memref_slice %arg7[%parallel_loop3A_184] : memref<8192xf32, #tpu.memory_space<vmem>> -> memref<128xf32, #tpu.memory_space<vmem>>
      %parallel_loop3A_200 = tpu.vector_load_idx %parallel_loop3A_199[%convert_element_type3A_22] : memref<128xf32, #tpu.memory_space<vmem>>[vector<16xi32>], vector<16xf32>,
      %parallel_loop3A_201 = tpu.memref_slice %arg11[%parallel_loop3A_184] : memref<8192xf32, #tpu.memory_space<vmem>> -> memref<128xf32, #tpu.memory_space<vmem>>
      %parallel_loop3A_202 = arith.constant 0 : index
      %parallel_loop3A_203 = tpu.vector_load %parallel_loop3A_201[%parallel_loop3A_202] {strides = array<i32>} : memref<128xf32, #tpu.memory_space<vmem>>, vector<16xf32>,
      tpu.vector_store %parallel_loop3A_201[%parallel_loop3A_202], %parallel_loop3A_186 {strides = array<i32>} : memref<128xf32, #tpu.memory_space<vmem>>, vector<16xf32>,
      %parallel_loop3A_204 = tpu.memref_slice %arg11[%parallel_loop3A_184] : memref<8192xf32, #tpu.memory_space<vmem>> -> memref<128xf32, #tpu.memory_space<vmem>>
      %parallel_loop3A_205 = arith.constant 16 : index
      %parallel_loop3A_206 = tpu.vector_load %parallel_loop3A_204[%parallel_loop3A_205] {strides = array<i32>} : memref<128xf32, #tpu.memory_space<vmem>>, vector<16xf32>,
      tpu.vector_store %parallel_loop3A_204[%parallel_loop3A_205], %parallel_loop3A_188 {strides = array<i32>} : memref<128xf32, #tpu.memory_space<vmem>>, vector<16xf32>,
      %parallel_loop3A_207 = tpu.memref_slice %arg11[%parallel_loop3A_184] : memref<8192xf32, #tpu.memory_space<vmem>> -> memref<128xf32, #tpu.memory_space<vmem>>
      %parallel_loop3A_208 = arith.constant 32 : index
      %parallel_loop3A_209 = tpu.vector_load %parallel_loop3A_207[%parallel_loop3A_208] {strides = array<i32>} : memref<128xf32, #tpu.memory_space<vmem>>, vector<16xf32>,
      tpu.vector_store %parallel_loop3A_207[%parallel_loop3A_208], %parallel_loop3A_190 {strides = array<i32>} : memref<128xf32, #tpu.memory_space<vmem>>, vector<16xf32>,
      %parallel_loop3A_210 = tpu.memref_slice %arg11[%parallel_loop3A_184] : memref<8192xf32, #tpu.memory_space<vmem>> -> memref<128xf32, #tpu.memory_space<vmem>>
      %parallel_loop3A_211 = arith.constant 48 : index
      %parallel_loop3A_212 = tpu.vector_load %parallel_loop3A_210[%parallel_loop3A_211] {strides = array<i32>} : memref<128xf32, #tpu.memory_space<vmem>>, vector<16xf32>,
      tpu.vector_store %parallel_loop3A_210[%parallel_loop3A_211], %parallel_loop3A_192 {strides = array<i32>} : memref<128xf32, #tpu.memory_space<vmem>>, vector<16xf32>,
      %parallel_loop3A_213 = tpu.memref_slice %arg11[%parallel_loop3A_184] : memref<8192xf32, #tpu.memory_space<vmem>> -> memref<128xf32, #tpu.memory_space<vmem>>
      %parallel_loop3A_214 = arith.constant 64 : index
      %parallel_loop3A_215 = tpu.vector_load %parallel_loop3A_213[%parallel_loop3A_214] {strides = array<i32>} : memref<128xf32, #tpu.memory_space<vmem>>, vector<16xf32>,
      tpu.vector_store %parallel_loop3A_213[%parallel_loop3A_214], %parallel_loop3A_194 {strides = array<i32>} : memref<128xf32, #tpu.memory_space<vmem>>, vector<16xf32>,
      %parallel_loop3A_216 = tpu.memref_slice %arg11[%parallel_loop3A_184] : memref<8192xf32, #tpu.memory_space<vmem>> -> memref<128xf32, #tpu.memory_space<vmem>>
      %parallel_loop3A_217 = arith.constant 80 : index
      %parallel_loop3A_218 = tpu.vector_load %parallel_loop3A_216[%parallel_loop3A_217] {strides = array<i32>} : memref<128xf32, #tpu.memory_space<vmem>>, vector<16xf32>,
      tpu.vector_store %parallel_loop3A_216[%parallel_loop3A_217], %parallel_loop3A_196 {strides = array<i32>} : memref<128xf32, #tpu.memory_space<vmem>>, vector<16xf32>,
      %parallel_loop3A_219 = tpu.memref_slice %arg11[%parallel_loop3A_184] : memref<8192xf32, #tpu.memory_space<vmem>> -> memref<128xf32, #tpu.memory_space<vmem>>
      %parallel_loop3A_220 = arith.constant 96 : index
      %parallel_loop3A_221 = tpu.vector_load %parallel_loop3A_219[%parallel_loop3A_220] {strides = array<i32>} : memref<128xf32, #tpu.memory_space<vmem>>, vector<16xf32>,
      tpu.vector_store %parallel_loop3A_219[%parallel_loop3A_220], %parallel_loop3A_198 {strides = array<i32>} : memref<128xf32, #tpu.memory_space<vmem>>, vector<16xf32>,
      %parallel_loop3A_222 = tpu.memref_slice %arg11[%parallel_loop3A_184] : memref<8192xf32, #tpu.memory_space<vmem>> -> memref<128xf32, #tpu.memory_space<vmem>>
      %parallel_loop3A_223 = arith.constant 112 : index
      %parallel_loop3A_224 = tpu.vector_load %parallel_loop3A_222[%parallel_loop3A_223] {strides = array<i32>} : memref<128xf32, #tpu.memory_space<vmem>>, vector<16xf32>,
      tpu.vector_store %parallel_loop3A_222[%parallel_loop3A_223], %parallel_loop3A_200 {strides = array<i32>} : memref<128xf32, #tpu.memory_space<vmem>>, vector<16xf32>,
    } {sc.loop_unroll_factor = 2 : i64, sc.parallel_access}
    %add3A_62 = arith.constant 8192 : i32
    %add3A_63 = arith.addi %mul3A_26, %add3A_62 : i32
    %dma_start3A_64 = tpu.memref_slice %arg4[%add3A_63] : memref<33554432xf32, #tpu.memory_space<hbm>> -> memref<8192xf32, #tpu.memory_space<hbm>>
    %dma_start3A_65 = tpu.memref_slice %arg4[%add3A_63] : memref<33554432xf32, #tpu.memory_space<hbm>> -> memref<8192xf32, #tpu.memory_space<hbm>>
    tpu.enqueue_dma source(%arg11 : memref<8192xf32, #tpu.memory_space<vmem>>) target(%dma_start3A_65 : memref<8192xf32, #tpu.memory_space<hbm>>) target_semaphore(%arg19 : memref<!tpu.dma_semaphore, #tpu.memory_space<semaphore_mem>>)
    %add3A_66 = arith.constant 40960 : i32
    %add3A_67 = arith.addi %mul3A_26, %add3A_66 : i32
    %dma_start3A_68 = tpu.memref_slice %arg2[%add3A_67] : memref<33554432xf32, #tpu.memory_space<hbm>> -> memref<8192xf32, #tpu.memory_space<hbm>>
    %dma_start3A_69 = tpu.memref_slice %arg2[%add3A_67] : memref<33554432xf32, #tpu.memory_space<hbm>> -> memref<8192xf32, #tpu.memory_space<hbm>>
    tpu.enqueue_dma source(%dma_start3A_69 : memref<8192xf32, #tpu.memory_space<hbm>>) target(%arg7 : memref<8192xf32, #tpu.memory_space<vmem>>) target_semaphore(%arg15 : memref<!tpu.dma_semaphore, #tpu.memory_space<semaphore_mem>>)
    %dma_wait3A_70 = arith.constant 0 : i32
    %dma_wait3A_71 = tpu.memref_slice %arg2[%dma_wait3A_70] : memref<33554432xf32, #tpu.memory_space<hbm>> -> memref<8192xf32, #tpu.memory_space<hbm>>
    %dma_wait3A_72 = arith.constant 0 : i32
    %dma_wait3A_73 = tpu.memref_slice %arg2[%dma_wait3A_72] : memref<33554432xf32, #tpu.memory_space<hbm>> -> memref<8192xf32, #tpu.memory_space<hbm>>
    tpu.wait_dma2 semaphore(%arg16 : memref<!tpu.dma_semaphore, #tpu.memory_space<semaphore_mem>>) src(%dma_wait3A_73 : memref<8192xf32, #tpu.memory_space<hbm>>) dst(%arg8 : memref<8192xf32, #tpu.memory_space<vmem>>)
    %parallel_loop3A_74 = arith.constant 0 : i32
    %parallel_loop3A_75 = arith.constant 64 : i32
    %parallel_loop3A_76 = arith.constant 1 : i32
    scf.for %parallel_loop3A_182 = %parallel_loop3A_74 to %parallel_loop3A_75 step %parallel_loop3A_76  : i32 {
      %parallel_loop3A_183 = arith.constant 128 : i32
      %parallel_loop3A_184 = arith.muli %parallel_loop3A_182, %parallel_loop3A_183 : i32
      %parallel_loop3A_185 = tpu.memref_slice %arg8[%parallel_loop3A_184] : memref<8192xf32, #tpu.memory_space<vmem>> -> memref<128xf32, #tpu.memory_space<vmem>>
      %parallel_loop3A_186 = tpu.vector_load_idx %parallel_loop3A_185[%convert_element_type3A] : memref<128xf32, #tpu.memory_space<vmem>>[vector<16xi32>], vector<16xf32>,
      %parallel_loop3A_187 = tpu.memref_slice %arg8[%parallel_loop3A_184] : memref<8192xf32, #tpu.memory_space<vmem>> -> memref<128xf32, #tpu.memory_space<vmem>>
      %parallel_loop3A_188 = tpu.vector_load_idx %parallel_loop3A_187[%convert_element_type3A_4] : memref<128xf32, #tpu.memory_space<vmem>>[vector<16xi32>], vector<16xf32>,
      %parallel_loop3A_189 = tpu.memref_slice %arg8[%parallel_loop3A_184] : memref<8192xf32, #tpu.memory_space<vmem>> -> memref<128xf32, #tpu.memory_space<vmem>>
      %parallel_loop3A_190 = tpu.vector_load_idx %parallel_loop3A_189[%convert_element_type3A_7] : memref<128xf32, #tpu.memory_space<vmem>>[vector<16xi32>], vector<16xf32>,
      %parallel_loop3A_191 = tpu.memref_slice %arg8[%parallel_loop3A_184] : memref<8192xf32, #tpu.memory_space<vmem>> -> memref<128xf32, #tpu.memory_space<vmem>>
      %parallel_loop3A_192 = tpu.vector_load_idx %parallel_loop3A_191[%convert_element_type3A_10] : memref<128xf32, #tpu.memory_space<vmem>>[vector<16xi32>], vector<16xf32>,
      %parallel_loop3A_193 = tpu.memref_slice %arg8[%parallel_loop3A_184] : memref<8192xf32, #tpu.memory_space<vmem>> -> memref<128xf32, #tpu.memory_space<vmem>>
      %parallel_loop3A_194 = tpu.vector_load_idx %parallel_loop3A_193[%convert_element_type3A_13] : memref<128xf32, #tpu.memory_space<vmem>>[vector<16xi32>], vector<16xf32>,
      %parallel_loop3A_195 = tpu.memref_slice %arg8[%parallel_loop3A_184] : memref<8192xf32, #tpu.memory_space<vmem>> -> memref<128xf32, #tpu.memory_space<vmem>>
      %parallel_loop3A_196 = tpu.vector_load_idx %parallel_loop3A_195[%convert_element_type3A_16] : memref<128xf32, #tpu.memory_space<vmem>>[vector<16xi32>], vector<16xf32>,
      %parallel_loop3A_197 = tpu.memref_slice %arg8[%parallel_loop3A_184] : memref<8192xf32, #tpu.memory_space<vmem>> -> memref<128xf32, #tpu.memory_space<vmem>>
      %parallel_loop3A_198 = tpu.vector_load_idx %parallel_loop3A_197[%convert_element_type3A_19] : memref<128xf32, #tpu.memory_space<vmem>>[vector<16xi32>], vector<16xf32>,
      %parallel_loop3A_199 = tpu.memref_slice %arg8[%parallel_loop3A_184] : memref<8192xf32, #tpu.memory_space<vmem>> -> memref<128xf32, #tpu.memory_space<vmem>>
      %parallel_loop3A_200 = tpu.vector_load_idx %parallel_loop3A_199[%convert_element_type3A_22] : memref<128xf32, #tpu.memory_space<vmem>>[vector<16xi32>], vector<16xf32>,
      %parallel_loop3A_201 = tpu.memref_slice %arg12[%parallel_loop3A_184] : memref<8192xf32, #tpu.memory_space<vmem>> -> memref<128xf32, #tpu.memory_space<vmem>>
      %parallel_loop3A_202 = arith.constant 0 : index
      %parallel_loop3A_203 = tpu.vector_load %parallel_loop3A_201[%parallel_loop3A_202] {strides = array<i32>} : memref<128xf32, #tpu.memory_space<vmem>>, vector<16xf32>,
      tpu.vector_store %parallel_loop3A_201[%parallel_loop3A_202], %parallel_loop3A_186 {strides = array<i32>} : memref<128xf32, #tpu.memory_space<vmem>>, vector<16xf32>,
      %parallel_loop3A_204 = tpu.memref_slice %arg12[%parallel_loop3A_184] : memref<8192xf32, #tpu.memory_space<vmem>> -> memref<128xf32, #tpu.memory_space<vmem>>
      %parallel_loop3A_205 = arith.constant 16 : index
      %parallel_loop3A_206 = tpu.vector_load %parallel_loop3A_204[%parallel_loop3A_205] {strides = array<i32>} : memref<128xf32, #tpu.memory_space<vmem>>, vector<16xf32>,
      tpu.vector_store %parallel_loop3A_204[%parallel_loop3A_205], %parallel_loop3A_188 {strides = array<i32>} : memref<128xf32, #tpu.memory_space<vmem>>, vector<16xf32>,
      %parallel_loop3A_207 = tpu.memref_slice %arg12[%parallel_loop3A_184] : memref<8192xf32, #tpu.memory_space<vmem>> -> memref<128xf32, #tpu.memory_space<vmem>>
      %parallel_loop3A_208 = arith.constant 32 : index
      %parallel_loop3A_209 = tpu.vector_load %parallel_loop3A_207[%parallel_loop3A_208] {strides = array<i32>} : memref<128xf32, #tpu.memory_space<vmem>>, vector<16xf32>,
      tpu.vector_store %parallel_loop3A_207[%parallel_loop3A_208], %parallel_loop3A_190 {strides = array<i32>} : memref<128xf32, #tpu.memory_space<vmem>>, vector<16xf32>,
      %parallel_loop3A_210 = tpu.memref_slice %arg12[%parallel_loop3A_184] : memref<8192xf32, #tpu.memory_space<vmem>> -> memref<128xf32, #tpu.memory_space<vmem>>
      %parallel_loop3A_211 = arith.constant 48 : index
      %parallel_loop3A_212 = tpu.vector_load %parallel_loop3A_210[%parallel_loop3A_211] {strides = array<i32>} : memref<128xf32, #tpu.memory_space<vmem>>, vector<16xf32>,
      tpu.vector_store %parallel_loop3A_210[%parallel_loop3A_211], %parallel_loop3A_192 {strides = array<i32>} : memref<128xf32, #tpu.memory_space<vmem>>, vector<16xf32>,
      %parallel_loop3A_213 = tpu.memref_slice %arg12[%parallel_loop3A_184] : memref<8192xf32, #tpu.memory_space<vmem>> -> memref<128xf32, #tpu.memory_space<vmem>>
      %parallel_loop3A_214 = arith.constant 64 : index
      %parallel_loop3A_215 = tpu.vector_load %parallel_loop3A_213[%parallel_loop3A_214] {strides = array<i32>} : memref<128xf32, #tpu.memory_space<vmem>>, vector<16xf32>,
      tpu.vector_store %parallel_loop3A_213[%parallel_loop3A_214], %parallel_loop3A_194 {strides = array<i32>} : memref<128xf32, #tpu.memory_space<vmem>>, vector<16xf32>,
      %parallel_loop3A_216 = tpu.memref_slice %arg12[%parallel_loop3A_184] : memref<8192xf32, #tpu.memory_space<vmem>> -> memref<128xf32, #tpu.memory_space<vmem>>
      %parallel_loop3A_217 = arith.constant 80 : index
      %parallel_loop3A_218 = tpu.vector_load %parallel_loop3A_216[%parallel_loop3A_217] {strides = array<i32>} : memref<128xf32, #tpu.memory_space<vmem>>, vector<16xf32>,
      tpu.vector_store %parallel_loop3A_216[%parallel_loop3A_217], %parallel_loop3A_196 {strides = array<i32>} : memref<128xf32, #tpu.memory_space<vmem>>, vector<16xf32>,
      %parallel_loop3A_219 = tpu.memref_slice %arg12[%parallel_loop3A_184] : memref<8192xf32, #tpu.memory_space<vmem>> -> memref<128xf32, #tpu.memory_space<vmem>>
      %parallel_loop3A_220 = arith.constant 96 : index
      %parallel_loop3A_221 = tpu.vector_load %parallel_loop3A_219[%parallel_loop3A_220] {strides = array<i32>} : memref<128xf32, #tpu.memory_space<vmem>>, vector<16xf32>,
      tpu.vector_store %parallel_loop3A_219[%parallel_loop3A_220], %parallel_loop3A_198 {strides = array<i32>} : memref<128xf32, #tpu.memory_space<vmem>>, vector<16xf32>,
      %parallel_loop3A_222 = tpu.memref_slice %arg12[%parallel_loop3A_184] : memref<8192xf32, #tpu.memory_space<vmem>> -> memref<128xf32, #tpu.memory_space<vmem>>
      %parallel_loop3A_223 = arith.constant 112 : index
      %parallel_loop3A_224 = tpu.vector_load %parallel_loop3A_222[%parallel_loop3A_223] {strides = array<i32>} : memref<128xf32, #tpu.memory_space<vmem>>, vector<16xf32>,
      tpu.vector_store %parallel_loop3A_222[%parallel_loop3A_223], %parallel_loop3A_200 {strides = array<i32>} : memref<128xf32, #tpu.memory_space<vmem>>, vector<16xf32>,
    } {sc.loop_unroll_factor = 2 : i64, sc.parallel_access}
    %add3A_77 = arith.constant 16384 : i32
    %add3A_78 = arith.addi %mul3A_26, %add3A_77 : i32
    %dma_start3A_79 = tpu.memref_slice %arg4[%add3A_78] : memref<33554432xf32, #tpu.memory_space<hbm>> -> memref<8192xf32, #tpu.memory_space<hbm>>
    %dma_start3A_80 = tpu.memref_slice %arg4[%add3A_78] : memref<33554432xf32, #tpu.memory_space<hbm>> -> memref<8192xf32, #tpu.memory_space<hbm>>
    tpu.enqueue_dma source(%arg12 : memref<8192xf32, #tpu.memory_space<vmem>>) target(%dma_start3A_80 : memref<8192xf32, #tpu.memory_space<hbm>>) target_semaphore(%arg20 : memref<!tpu.dma_semaphore, #tpu.memory_space<semaphore_mem>>)
    %add3A_81 = arith.constant 49152 : i32
    %add3A_82 = arith.addi %mul3A_26, %add3A_81 : i32
    %dma_start3A_83 = tpu.memref_slice %arg2[%add3A_82] : memref<33554432xf32, #tpu.memory_space<hbm>> -> memref<8192xf32, #tpu.memory_space<hbm>>
    %dma_start3A_84 = tpu.memref_slice %arg2[%add3A_82] : memref<33554432xf32, #tpu.memory_space<hbm>> -> memref<8192xf32, #tpu.memory_space<hbm>>
    tpu.enqueue_dma source(%dma_start3A_84 : memref<8192xf32, #tpu.memory_space<hbm>>) target(%arg8 : memref<8192xf32, #tpu.memory_space<vmem>>) target_semaphore(%arg16 : memref<!tpu.dma_semaphore, #tpu.memory_space<semaphore_mem>>)
    %dma_wait3A_85 = arith.constant 0 : i32
    %dma_wait3A_86 = tpu.memref_slice %arg2[%dma_wait3A_85] : memref<33554432xf32, #tpu.memory_space<hbm>> -> memref<8192xf32, #tpu.memory_space<hbm>>
    %dma_wait3A_87 = arith.constant 0 : i32
    %dma_wait3A_88 = tpu.memref_slice %arg2[%dma_wait3A_87] : memref<33554432xf32, #tpu.memory_space<hbm>> -> memref<8192xf32, #tpu.memory_space<hbm>>
    tpu.wait_dma2 semaphore(%arg17 : memref<!tpu.dma_semaphore, #tpu.memory_space<semaphore_mem>>) src(%dma_wait3A_88 : memref<8192xf32, #tpu.memory_space<hbm>>) dst(%arg9 : memref<8192xf32, #tpu.memory_space<vmem>>)
    %parallel_loop3A_89 = arith.constant 0 : i32
    %parallel_loop3A_90 = arith.constant 64 : i32
    %parallel_loop3A_91 = arith.constant 1 : i32
    scf.for %parallel_loop3A_182 = %parallel_loop3A_89 to %parallel_loop3A_90 step %parallel_loop3A_91  : i32 {
      %parallel_loop3A_183 = arith.constant 128 : i32
      %parallel_loop3A_184 = arith.muli %parallel_loop3A_182, %parallel_loop3A_183 : i32
      %parallel_loop3A_185 = tpu.memref_slice %arg9[%parallel_loop3A_184] : memref<8192xf32, #tpu.memory_space<vmem>> -> memref<128xf32, #tpu.memory_space<vmem>>
      %parallel_loop3A_186 = tpu.vector_load_idx %parallel_loop3A_185[%convert_element_type3A] : memref<128xf32, #tpu.memory_space<vmem>>[vector<16xi32>], vector<16xf32>,
      %parallel_loop3A_187 = tpu.memref_slice %arg9[%parallel_loop3A_184] : memref<8192xf32, #tpu.memory_space<vmem>> -> memref<128xf32, #tpu.memory_space<vmem>>
      %parallel_loop3A_188 = tpu.vector_load_idx %parallel_loop3A_187[%convert_element_type3A_4] : memref<128xf32, #tpu.memory_space<vmem>>[vector<16xi32>], vector<16xf32>,
      %parallel_loop3A_189 = tpu.memref_slice %arg9[%parallel_loop3A_184] : memref<8192xf32, #tpu.memory_space<vmem>> -> memref<128xf32, #tpu.memory_space<vmem>>
      %parallel_loop3A_190 = tpu.vector_load_idx %parallel_loop3A_189[%convert_element_type3A_7] : memref<128xf32, #tpu.memory_space<vmem>>[vector<16xi32>], vector<16xf32>,
      %parallel_loop3A_191 = tpu.memref_slice %arg9[%parallel_loop3A_184] : memref<8192xf32, #tpu.memory_space<vmem>> -> memref<128xf32, #tpu.memory_space<vmem>>
      %parallel_loop3A_192 = tpu.vector_load_idx %parallel_loop3A_191[%convert_element_type3A_10] : memref<128xf32, #tpu.memory_space<vmem>>[vector<16xi32>], vector<16xf32>,
      %parallel_loop3A_193 = tpu.memref_slice %arg9[%parallel_loop3A_184] : memref<8192xf32, #tpu.memory_space<vmem>> -> memref<128xf32, #tpu.memory_space<vmem>>
      %parallel_loop3A_194 = tpu.vector_load_idx %parallel_loop3A_193[%convert_element_type3A_13] : memref<128xf32, #tpu.memory_space<vmem>>[vector<16xi32>], vector<16xf32>,
      %parallel_loop3A_195 = tpu.memref_slice %arg9[%parallel_loop3A_184] : memref<8192xf32, #tpu.memory_space<vmem>> -> memref<128xf32, #tpu.memory_space<vmem>>
      %parallel_loop3A_196 = tpu.vector_load_idx %parallel_loop3A_195[%convert_element_type3A_16] : memref<128xf32, #tpu.memory_space<vmem>>[vector<16xi32>], vector<16xf32>,
      %parallel_loop3A_197 = tpu.memref_slice %arg9[%parallel_loop3A_184] : memref<8192xf32, #tpu.memory_space<vmem>> -> memref<128xf32, #tpu.memory_space<vmem>>
      %parallel_loop3A_198 = tpu.vector_load_idx %parallel_loop3A_197[%convert_element_type3A_19] : memref<128xf32, #tpu.memory_space<vmem>>[vector<16xi32>], vector<16xf32>,
      %parallel_loop3A_199 = tpu.memref_slice %arg9[%parallel_loop3A_184] : memref<8192xf32, #tpu.memory_space<vmem>> -> memref<128xf32, #tpu.memory_space<vmem>>
      %parallel_loop3A_200 = tpu.vector_load_idx %parallel_loop3A_199[%convert_element_type3A_22] : memref<128xf32, #tpu.memory_space<vmem>>[vector<16xi32>], vector<16xf32>,
      %parallel_loop3A_201 = tpu.memref_slice %arg13[%parallel_loop3A_184] : memref<8192xf32, #tpu.memory_space<vmem>> -> memref<128xf32, #tpu.memory_space<vmem>>
      %parallel_loop3A_202 = arith.constant 0 : index
      %parallel_loop3A_203 = tpu.vector_load %parallel_loop3A_201[%parallel_loop3A_202] {strides = array<i32>} : memref<128xf32, #tpu.memory_space<vmem>>, vector<16xf32>,
      tpu.vector_store %parallel_loop3A_201[%parallel_loop3A_202], %parallel_loop3A_186 {strides = array<i32>} : memref<128xf32, #tpu.memory_space<vmem>>, vector<16xf32>,
      %parallel_loop3A_204 = tpu.memref_slice %arg13[%parallel_loop3A_184] : memref<8192xf32, #tpu.memory_space<vmem>> -> memref<128xf32, #tpu.memory_space<vmem>>
      %parallel_loop3A_205 = arith.constant 16 : index
      %parallel_loop3A_206 = tpu.vector_load %parallel_loop3A_204[%parallel_loop3A_205] {strides = array<i32>} : memref<128xf32, #tpu.memory_space<vmem>>, vector<16xf32>,
      tpu.vector_store %parallel_loop3A_204[%parallel_loop3A_205], %parallel_loop3A_188 {strides = array<i32>} : memref<128xf32, #tpu.memory_space<vmem>>, vector<16xf32>,
      %parallel_loop3A_207 = tpu.memref_slice %arg13[%parallel_loop3A_184] : memref<8192xf32, #tpu.memory_space<vmem>> -> memref<128xf32, #tpu.memory_space<vmem>>
      %parallel_loop3A_208 = arith.constant 32 : index
      %parallel_loop3A_209 = tpu.vector_load %parallel_loop3A_207[%parallel_loop3A_208] {strides = array<i32>} : memref<128xf32, #tpu.memory_space<vmem>>, vector<16xf32>,
      tpu.vector_store %parallel_loop3A_207[%parallel_loop3A_208], %parallel_loop3A_190 {strides = array<i32>} : memref<128xf32, #tpu.memory_space<vmem>>, vector<16xf32>,
      %parallel_loop3A_210 = tpu.memref_slice %arg13[%parallel_loop3A_184] : memref<8192xf32, #tpu.memory_space<vmem>> -> memref<128xf32, #tpu.memory_space<vmem>>
      %parallel_loop3A_211 = arith.constant 48 : index
      %parallel_loop3A_212 = tpu.vector_load %parallel_loop3A_210[%parallel_loop3A_211] {strides = array<i32>} : memref<128xf32, #tpu.memory_space<vmem>>, vector<16xf32>,
      tpu.vector_store %parallel_loop3A_210[%parallel_loop3A_211], %parallel_loop3A_192 {strides = array<i32>} : memref<128xf32, #tpu.memory_space<vmem>>, vector<16xf32>,
      %parallel_loop3A_213 = tpu.memref_slice %arg13[%parallel_loop3A_184] : memref<8192xf32, #tpu.memory_space<vmem>> -> memref<128xf32, #tpu.memory_space<vmem>>
      %parallel_loop3A_214 = arith.constant 64 : index
      %parallel_loop3A_215 = tpu.vector_load %parallel_loop3A_213[%parallel_loop3A_214] {strides = array<i32>} : memref<128xf32, #tpu.memory_space<vmem>>, vector<16xf32>,
      tpu.vector_store %parallel_loop3A_213[%parallel_loop3A_214], %parallel_loop3A_194 {strides = array<i32>} : memref<128xf32, #tpu.memory_space<vmem>>, vector<16xf32>,
      %parallel_loop3A_216 = tpu.memref_slice %arg13[%parallel_loop3A_184] : memref<8192xf32, #tpu.memory_space<vmem>> -> memref<128xf32, #tpu.memory_space<vmem>>
      %parallel_loop3A_217 = arith.constant 80 : index
      %parallel_loop3A_218 = tpu.vector_load %parallel_loop3A_216[%parallel_loop3A_217] {strides = array<i32>} : memref<128xf32, #tpu.memory_space<vmem>>, vector<16xf32>,
      tpu.vector_store %parallel_loop3A_216[%parallel_loop3A_217], %parallel_loop3A_196 {strides = array<i32>} : memref<128xf32, #tpu.memory_space<vmem>>, vector<16xf32>,
      %parallel_loop3A_219 = tpu.memref_slice %arg13[%parallel_loop3A_184] : memref<8192xf32, #tpu.memory_space<vmem>> -> memref<128xf32, #tpu.memory_space<vmem>>
      %parallel_loop3A_220 = arith.constant 96 : index
      %parallel_loop3A_221 = tpu.vector_load %parallel_loop3A_219[%parallel_loop3A_220] {strides = array<i32>} : memref<128xf32, #tpu.memory_space<vmem>>, vector<16xf32>,
      tpu.vector_store %parallel_loop3A_219[%parallel_loop3A_220], %parallel_loop3A_198 {strides = array<i32>} : memref<128xf32, #tpu.memory_space<vmem>>, vector<16xf32>,
      %parallel_loop3A_222 = tpu.memref_slice %arg13[%parallel_loop3A_184] : memref<8192xf32, #tpu.memory_space<vmem>> -> memref<128xf32, #tpu.memory_space<vmem>>
      %parallel_loop3A_223 = arith.constant 112 : index
      %parallel_loop3A_224 = tpu.vector_load %parallel_loop3A_222[%parallel_loop3A_223] {strides = array<i32>} : memref<128xf32, #tpu.memory_space<vmem>>, vector<16xf32>,
      tpu.vector_store %parallel_loop3A_222[%parallel_loop3A_223], %parallel_loop3A_200 {strides = array<i32>} : memref<128xf32, #tpu.memory_space<vmem>>, vector<16xf32>,
    } {sc.loop_unroll_factor = 2 : i64, sc.parallel_access}
    %add3A_92 = arith.constant 24576 : i32
    %add3A_93 = arith.addi %mul3A_26, %add3A_92 : i32
    %dma_start3A_94 = tpu.memref_slice %arg4[%add3A_93] : memref<33554432xf32, #tpu.memory_space<hbm>> -> memref<8192xf32, #tpu.memory_space<hbm>>
    %dma_start3A_95 = tpu.memref_slice %arg4[%add3A_93] : memref<33554432xf32, #tpu.memory_space<hbm>> -> memref<8192xf32, #tpu.memory_space<hbm>>
    tpu.enqueue_dma source(%arg13 : memref<8192xf32, #tpu.memory_space<vmem>>) target(%dma_start3A_95 : memref<8192xf32, #tpu.memory_space<hbm>>) target_semaphore(%arg21 : memref<!tpu.dma_semaphore, #tpu.memory_space<semaphore_mem>>)
    %add3A_96 = arith.constant 57344 : i32
    %add3A_97 = arith.addi %mul3A_26, %add3A_96 : i32
    %dma_start3A_98 = tpu.memref_slice %arg2[%add3A_97] : memref<33554432xf32, #tpu.memory_space<hbm>> -> memref<8192xf32, #tpu.memory_space<hbm>>
    %dma_start3A_99 = tpu.memref_slice %arg2[%add3A_97] : memref<33554432xf32, #tpu.memory_space<hbm>> -> memref<8192xf32, #tpu.memory_space<hbm>>
    tpu.enqueue_dma source(%dma_start3A_99 : memref<8192xf32, #tpu.memory_space<hbm>>) target(%arg9 : memref<8192xf32, #tpu.memory_space<vmem>>) target_semaphore(%arg17 : memref<!tpu.dma_semaphore, #tpu.memory_space<semaphore_mem>>)
    %scan3A = arith.constant 0 : i32
    %scan3A_100 = arith.constant 1 : i32
    %scan3A_101 = arith.constant 30 : i32
    %scan3A_102 = arith.addi %scan3A_100, %scan3A_101 : i32
    %scan3A_103 = arith.constant 1 : i32
    %scan3A_104 = scf.for %scan3A_182 = %scan3A_100 to %scan3A_102 step %scan3A_103 iter_args(%scan3A_183 = %scan3A) -> (i32)  : i32 {
      %mul3A_184 = arith.constant 4 : i32
      %mul3A_185 = arith.muli %mul3A_184, %scan3A_182 : i32
      %add3A_186 = arith.constant 0 : i32
      %add3A_187 = arith.addi %mul3A_185, %add3A_186 : i32
      %dma_wait3A_188 = arith.constant 0 : i32
      %dma_wait3A_189 = tpu.memref_slice %arg2[%dma_wait3A_188] : memref<33554432xf32, #tpu.memory_space<hbm>> -> memref<8192xf32, #tpu.memory_space<hbm>>
      %dma_wait3A_190 = arith.constant 0 : i32
      %dma_wait3A_191 = tpu.memref_slice %arg2[%dma_wait3A_190] : memref<33554432xf32, #tpu.memory_space<hbm>> -> memref<8192xf32, #tpu.memory_space<hbm>>
      tpu.wait_dma2 semaphore(%arg14 : memref<!tpu.dma_semaphore, #tpu.memory_space<semaphore_mem>>) src(%dma_wait3A_191 : memref<8192xf32, #tpu.memory_space<hbm>>) dst(%arg6 : memref<8192xf32, #tpu.memory_space<vmem>>)
      %dma_wait3A_192 = arith.constant 0 : i32
      %dma_wait3A_193 = tpu.memref_slice %arg4[%dma_wait3A_192] : memref<33554432xf32, #tpu.memory_space<hbm>> -> memref<8192xf32, #tpu.memory_space<hbm>>
      %dma_wait3A_194 = arith.constant 0 : i32
      %dma_wait3A_195 = tpu.memref_slice %arg4[%dma_wait3A_194] : memref<33554432xf32, #tpu.memory_space<hbm>> -> memref<8192xf32, #tpu.memory_space<hbm>>
      tpu.wait_dma2 semaphore(%arg18 : memref<!tpu.dma_semaphore, #tpu.memory_space<semaphore_mem>>) src(%arg10 : memref<8192xf32, #tpu.memory_space<vmem>>) dst(%dma_wait3A_195 : memref<8192xf32, #tpu.memory_space<hbm>>)
      %parallel_loop3A_196 = arith.constant 0 : i32
      %parallel_loop3A_197 = arith.constant 64 : i32
      %parallel_loop3A_198 = arith.constant 1 : i32
      scf.for %parallel_loop3A_293 = %parallel_loop3A_196 to %parallel_loop3A_197 step %parallel_loop3A_198  : i32 {
        %parallel_loop3A_294 = arith.constant 128 : i32
        %parallel_loop3A_295 = arith.muli %parallel_loop3A_293, %parallel_loop3A_294 : i32
        %parallel_loop3A_296 = tpu.memref_slice %arg6[%parallel_loop3A_295] : memref<8192xf32, #tpu.memory_space<vmem>> -> memref<128xf32, #tpu.memory_space<vmem>>
        %parallel_loop3A_297 = tpu.vector_load_idx %parallel_loop3A_296[%convert_element_type3A] : memref<128xf32, #tpu.memory_space<vmem>>[vector<16xi32>], vector<16xf32>,
        %parallel_loop3A_298 = tpu.memref_slice %arg6[%parallel_loop3A_295] : memref<8192xf32, #tpu.memory_space<vmem>> -> memref<128xf32, #tpu.memory_space<vmem>>
        %parallel_loop3A_299 = tpu.vector_load_idx %parallel_loop3A_298[%convert_element_type3A_4] : memref<128xf32, #tpu.memory_space<vmem>>[vector<16xi32>], vector<16xf32>,
        %parallel_loop3A_300 = tpu.memref_slice %arg6[%parallel_loop3A_295] : memref<8192xf32, #tpu.memory_space<vmem>> -> memref<128xf32, #tpu.memory_space<vmem>>
        %parallel_loop3A_301 = tpu.vector_load_idx %parallel_loop3A_300[%convert_element_type3A_7] : memref<128xf32, #tpu.memory_space<vmem>>[vector<16xi32>], vector<16xf32>,
        %parallel_loop3A_302 = tpu.memref_slice %arg6[%parallel_loop3A_295] : memref<8192xf32, #tpu.memory_space<vmem>> -> memref<128xf32, #tpu.memory_space<vmem>>
        %parallel_loop3A_303 = tpu.vector_load_idx %parallel_loop3A_302[%convert_element_type3A_10] : memref<128xf32, #tpu.memory_space<vmem>>[vector<16xi32>], vector<16xf32>,
        %parallel_loop3A_304 = tpu.memref_slice %arg6[%parallel_loop3A_295] : memref<8192xf32, #tpu.memory_space<vmem>> -> memref<128xf32, #tpu.memory_space<vmem>>
        %parallel_loop3A_305 = tpu.vector_load_idx %parallel_loop3A_304[%convert_element_type3A_13] : memref<128xf32, #tpu.memory_space<vmem>>[vector<16xi32>], vector<16xf32>,
        %parallel_loop3A_306 = tpu.memref_slice %arg6[%parallel_loop3A_295] : memref<8192xf32, #tpu.memory_space<vmem>> -> memref<128xf32, #tpu.memory_space<vmem>>
        %parallel_loop3A_307 = tpu.vector_load_idx %parallel_loop3A_306[%convert_element_type3A_16] : memref<128xf32, #tpu.memory_space<vmem>>[vector<16xi32>], vector<16xf32>,
        %parallel_loop3A_308 = tpu.memref_slice %arg6[%parallel_loop3A_295] : memref<8192xf32, #tpu.memory_space<vmem>> -> memref<128xf32, #tpu.memory_space<vmem>>
        %parallel_loop3A_309 = tpu.vector_load_idx %parallel_loop3A_308[%convert_element_type3A_19] : memref<128xf32, #tpu.memory_space<vmem>>[vector<16xi32>], vector<16xf32>,
        %parallel_loop3A_310 = tpu.memref_slice %arg6[%parallel_loop3A_295] : memref<8192xf32, #tpu.memory_space<vmem>> -> memref<128xf32, #tpu.memory_space<vmem>>
        %parallel_loop3A_311 = tpu.vector_load_idx %parallel_loop3A_310[%convert_element_type3A_22] : memref<128xf32, #tpu.memory_space<vmem>>[vector<16xi32>], vector<16xf32>,
        %parallel_loop3A_312 = tpu.memref_slice %arg10[%parallel_loop3A_295] : memref<8192xf32, #tpu.memory_space<vmem>> -> memref<128xf32, #tpu.memory_space<vmem>>
        %parallel_loop3A_313 = arith.constant 0 : index
        %parallel_loop3A_314 = tpu.vector_load %parallel_loop3A_312[%parallel_loop3A_313] {strides = array<i32>} : memref<128xf32, #tpu.memory_space<vmem>>, vector<16xf32>,
        tpu.vector_store %parallel_loop3A_312[%parallel_loop3A_313], %parallel_loop3A_297 {strides = array<i32>} : memref<128xf32, #tpu.memory_space<vmem>>, vector<16xf32>,
        %parallel_loop3A_315 = tpu.memref_slice %arg10[%parallel_loop3A_295] : memref<8192xf32, #tpu.memory_space<vmem>> -> memref<128xf32, #tpu.memory_space<vmem>>
        %parallel_loop3A_316 = arith.constant 16 : index
        %parallel_loop3A_317 = tpu.vector_load %parallel_loop3A_315[%parallel_loop3A_316] {strides = array<i32>} : memref<128xf32, #tpu.memory_space<vmem>>, vector<16xf32>,
        tpu.vector_store %parallel_loop3A_315[%parallel_loop3A_316], %parallel_loop3A_299 {strides = array<i32>} : memref<128xf32, #tpu.memory_space<vmem>>, vector<16xf32>,
        %parallel_loop3A_318 = tpu.memref_slice %arg10[%parallel_loop3A_295] : memref<8192xf32, #tpu.memory_space<vmem>> -> memref<128xf32, #tpu.memory_space<vmem>>
        %parallel_loop3A_319 = arith.constant 32 : index
        %parallel_loop3A_320 = tpu.vector_load %parallel_loop3A_318[%parallel_loop3A_319] {strides = array<i32>} : memref<128xf32, #tpu.memory_space<vmem>>, vector<16xf32>,
        tpu.vector_store %parallel_loop3A_318[%parallel_loop3A_319], %parallel_loop3A_301 {strides = array<i32>} : memref<128xf32, #tpu.memory_space<vmem>>, vector<16xf32>,
        %parallel_loop3A_321 = tpu.memref_slice %arg10[%parallel_loop3A_295] : memref<8192xf32, #tpu.memory_space<vmem>> -> memref<128xf32, #tpu.memory_space<vmem>>
        %parallel_loop3A_322 = arith.constant 48 : index
        %parallel_loop3A_323 = tpu.vector_load %parallel_loop3A_321[%parallel_loop3A_322] {strides = array<i32>} : memref<128xf32, #tpu.memory_space<vmem>>, vector<16xf32>,
        tpu.vector_store %parallel_loop3A_321[%parallel_loop3A_322], %parallel_loop3A_303 {strides = array<i32>} : memref<128xf32, #tpu.memory_space<vmem>>, vector<16xf32>,
        %parallel_loop3A_324 = tpu.memref_slice %arg10[%parallel_loop3A_295] : memref<8192xf32, #tpu.memory_space<vmem>> -> memref<128xf32, #tpu.memory_space<vmem>>
        %parallel_loop3A_325 = arith.constant 64 : index
        %parallel_loop3A_326 = tpu.vector_load %parallel_loop3A_324[%parallel_loop3A_325] {strides = array<i32>} : memref<128xf32, #tpu.memory_space<vmem>>, vector<16xf32>,
        tpu.vector_store %parallel_loop3A_324[%parallel_loop3A_325], %parallel_loop3A_305 {strides = array<i32>} : memref<128xf32, #tpu.memory_space<vmem>>, vector<16xf32>,
        %parallel_loop3A_327 = tpu.memref_slice %arg10[%parallel_loop3A_295] : memref<8192xf32, #tpu.memory_space<vmem>> -> memref<128xf32, #tpu.memory_space<vmem>>
        %parallel_loop3A_328 = arith.constant 80 : index
        %parallel_loop3A_329 = tpu.vector_load %parallel_loop3A_327[%parallel_loop3A_328] {strides = array<i32>} : memref<128xf32, #tpu.memory_space<vmem>>, vector<16xf32>,
        tpu.vector_store %parallel_loop3A_327[%parallel_loop3A_328], %parallel_loop3A_307 {strides = array<i32>} : memref<128xf32, #tpu.memory_space<vmem>>, vector<16xf32>,
        %parallel_loop3A_330 = tpu.memref_slice %arg10[%parallel_loop3A_295] : memref<8192xf32, #tpu.memory_space<vmem>> -> memref<128xf32, #tpu.memory_space<vmem>>
        %parallel_loop3A_331 = arith.constant 96 : index
        %parallel_loop3A_332 = tpu.vector_load %parallel_loop3A_330[%parallel_loop3A_331] {strides = array<i32>} : memref<128xf32, #tpu.memory_space<vmem>>, vector<16xf32>,
        tpu.vector_store %parallel_loop3A_330[%parallel_loop3A_331], %parallel_loop3A_309 {strides = array<i32>} : memref<128xf32, #tpu.memory_space<vmem>>, vector<16xf32>,
        %parallel_loop3A_333 = tpu.memref_slice %arg10[%parallel_loop3A_295] : memref<8192xf32, #tpu.memory_space<vmem>> -> memref<128xf32, #tpu.memory_space<vmem>>
        %parallel_loop3A_334 = arith.constant 112 : index
        %parallel_loop3A_335 = tpu.vector_load %parallel_loop3A_333[%parallel_loop3A_334] {strides = array<i32>} : memref<128xf32, #tpu.memory_space<vmem>>, vector<16xf32>,
        tpu.vector_store %parallel_loop3A_333[%parallel_loop3A_334], %parallel_loop3A_311 {strides = array<i32>} : memref<128xf32, #tpu.memory_space<vmem>>, vector<16xf32>,
      } {sc.loop_unroll_factor = 2 : i64, sc.parallel_access}
      %mul3A_199 = arith.constant 8192 : i32
      %mul3A_200 = arith.muli %add3A_187, %mul3A_199 : i32
      %add3A_201 = arith.addi %mul3A_26, %mul3A_200 : i32
      %dma_start3A_202 = tpu.memref_slice %arg4[%add3A_201] : memref<33554432xf32, #tpu.memory_space<hbm>> -> memref<8192xf32, #tpu.memory_space<hbm>>
      %dma_start3A_203 = tpu.memref_slice %arg4[%add3A_201] : memref<33554432xf32, #tpu.memory_space<hbm>> -> memref<8192xf32, #tpu.memory_space<hbm>>
      tpu.enqueue_dma source(%arg10 : memref<8192xf32, #tpu.memory_space<vmem>>) target(%dma_start3A_203 : memref<8192xf32, #tpu.memory_space<hbm>>) target_semaphore(%arg18 : memref<!tpu.dma_semaphore, #tpu.memory_space<semaphore_mem>>)
      %add3A_204 = arith.constant 4 : i32
      %add3A_205 = arith.addi %add3A_187, %add3A_204 : i32
      %mul3A_206 = arith.constant 8192 : i32
      %mul3A_207 = arith.muli %add3A_205, %mul3A_206 : i32
      %add3A_208 = arith.addi %mul3A_26, %mul3A_207 : i32
      %dma_start3A_209 = tpu.memref_slice %arg2[%add3A_208] : memref<33554432xf32, #tpu.memory_space<hbm>> -> memref<8192xf32, #tpu.memory_space<hbm>>
      %dma_start3A_210 = tpu.memref_slice %arg2[%add3A_208] : memref<33554432xf32, #tpu.memory_space<hbm>> -> memref<8192xf32, #tpu.memory_space<hbm>>
      tpu.enqueue_dma source(%dma_start3A_210 : memref<8192xf32, #tpu.memory_space<hbm>>) target(%arg6 : memref<8192xf32, #tpu.memory_space<vmem>>) target_semaphore(%arg14 : memref<!tpu.dma_semaphore, #tpu.memory_space<semaphore_mem>>)
      %mul3A_211 = arith.constant 4 : i32
      %mul3A_212 = arith.muli %mul3A_211, %scan3A_182 : i32
      %add3A_213 = arith.constant 1 : i32
      %add3A_214 = arith.addi %mul3A_212, %add3A_213 : i32
      %dma_wait3A_215 = arith.constant 0 : i32
      %dma_wait3A_216 = tpu.memref_slice %arg2[%dma_wait3A_215] : memref<33554432xf32, #tpu.memory_space<hbm>> -> memref<8192xf32, #tpu.memory_space<hbm>>
      %dma_wait3A_217 = arith.constant 0 : i32
      %dma_wait3A_218 = tpu.memref_slice %arg2[%dma_wait3A_217] : memref<33554432xf32, #tpu.memory_space<hbm>> -> memref<8192xf32, #tpu.memory_space<hbm>>
      tpu.wait_dma2 semaphore(%arg15 : memref<!tpu.dma_semaphore, #tpu.memory_space<semaphore_mem>>) src(%dma_wait3A_218 : memref<8192xf32, #tpu.memory_space<hbm>>) dst(%arg7 : memref<8192xf32, #tpu.memory_space<vmem>>)
      %dma_wait3A_219 = arith.constant 0 : i32
      %dma_wait3A_220 = tpu.memref_slice %arg4[%dma_wait3A_219] : memref<33554432xf32, #tpu.memory_space<hbm>> -> memref<8192xf32, #tpu.memory_space<hbm>>
      %dma_wait3A_221 = arith.constant 0 : i32
      %dma_wait3A_222 = tpu.memref_slice %arg4[%dma_wait3A_221] : memref<33554432xf32, #tpu.memory_space<hbm>> -> memref<8192xf32, #tpu.memory_space<hbm>>
      tpu.wait_dma2 semaphore(%arg19 : memref<!tpu.dma_semaphore, #tpu.memory_space<semaphore_mem>>) src(%arg11 : memref<8192xf32, #tpu.memory_space<vmem>>) dst(%dma_wait3A_222 : memref<8192xf32, #tpu.memory_space<hbm>>)
      %parallel_loop3A_223 = arith.constant 0 : i32
      %parallel_loop3A_224 = arith.constant 64 : i32
      %parallel_loop3A_225 = arith.constant 1 : i32
      scf.for %parallel_loop3A_293 = %parallel_loop3A_223 to %parallel_loop3A_224 step %parallel_loop3A_225  : i32 {
        %parallel_loop3A_294 = arith.constant 128 : i32
        %parallel_loop3A_295 = arith.muli %parallel_loop3A_293, %parallel_loop3A_294 : i32
        %parallel_loop3A_296 = tpu.memref_slice %arg7[%parallel_loop3A_295] : memref<8192xf32, #tpu.memory_space<vmem>> -> memref<128xf32, #tpu.memory_space<vmem>>
        %parallel_loop3A_297 = tpu.vector_load_idx %parallel_loop3A_296[%convert_element_type3A] : memref<128xf32, #tpu.memory_space<vmem>>[vector<16xi32>], vector<16xf32>,
        %parallel_loop3A_298 = tpu.memref_slice %arg7[%parallel_loop3A_295] : memref<8192xf32, #tpu.memory_space<vmem>> -> memref<128xf32, #tpu.memory_space<vmem>>
        %parallel_loop3A_299 = tpu.vector_load_idx %parallel_loop3A_298[%convert_element_type3A_4] : memref<128xf32, #tpu.memory_space<vmem>>[vector<16xi32>], vector<16xf32>,
        %parallel_loop3A_300 = tpu.memref_slice %arg7[%parallel_loop3A_295] : memref<8192xf32, #tpu.memory_space<vmem>> -> memref<128xf32, #tpu.memory_space<vmem>>
        %parallel_loop3A_301 = tpu.vector_load_idx %parallel_loop3A_300[%convert_element_type3A_7] : memref<128xf32, #tpu.memory_space<vmem>>[vector<16xi32>], vector<16xf32>,
        %parallel_loop3A_302 = tpu.memref_slice %arg7[%parallel_loop3A_295] : memref<8192xf32, #tpu.memory_space<vmem>> -> memref<128xf32, #tpu.memory_space<vmem>>
        %parallel_loop3A_303 = tpu.vector_load_idx %parallel_loop3A_302[%convert_element_type3A_10] : memref<128xf32, #tpu.memory_space<vmem>>[vector<16xi32>], vector<16xf32>,
        %parallel_loop3A_304 = tpu.memref_slice %arg7[%parallel_loop3A_295] : memref<8192xf32, #tpu.memory_space<vmem>> -> memref<128xf32, #tpu.memory_space<vmem>>
        %parallel_loop3A_305 = tpu.vector_load_idx %parallel_loop3A_304[%convert_element_type3A_13] : memref<128xf32, #tpu.memory_space<vmem>>[vector<16xi32>], vector<16xf32>,
        %parallel_loop3A_306 = tpu.memref_slice %arg7[%parallel_loop3A_295] : memref<8192xf32, #tpu.memory_space<vmem>> -> memref<128xf32, #tpu.memory_space<vmem>>
        %parallel_loop3A_307 = tpu.vector_load_idx %parallel_loop3A_306[%convert_element_type3A_16] : memref<128xf32, #tpu.memory_space<vmem>>[vector<16xi32>], vector<16xf32>,
        %parallel_loop3A_308 = tpu.memref_slice %arg7[%parallel_loop3A_295] : memref<8192xf32, #tpu.memory_space<vmem>> -> memref<128xf32, #tpu.memory_space<vmem>>
        %parallel_loop3A_309 = tpu.vector_load_idx %parallel_loop3A_308[%convert_element_type3A_19] : memref<128xf32, #tpu.memory_space<vmem>>[vector<16xi32>], vector<16xf32>,
        %parallel_loop3A_310 = tpu.memref_slice %arg7[%parallel_loop3A_295] : memref<8192xf32, #tpu.memory_space<vmem>> -> memref<128xf32, #tpu.memory_space<vmem>>
        %parallel_loop3A_311 = tpu.vector_load_idx %parallel_loop3A_310[%convert_element_type3A_22] : memref<128xf32, #tpu.memory_space<vmem>>[vector<16xi32>], vector<16xf32>,
        %parallel_loop3A_312 = tpu.memref_slice %arg11[%parallel_loop3A_295] : memref<8192xf32, #tpu.memory_space<vmem>> -> memref<128xf32, #tpu.memory_space<vmem>>
        %parallel_loop3A_313 = arith.constant 0 : index
        %parallel_loop3A_314 = tpu.vector_load %parallel_loop3A_312[%parallel_loop3A_313] {strides = array<i32>} : memref<128xf32, #tpu.memory_space<vmem>>, vector<16xf32>,
        tpu.vector_store %parallel_loop3A_312[%parallel_loop3A_313], %parallel_loop3A_297 {strides = array<i32>} : memref<128xf32, #tpu.memory_space<vmem>>, vector<16xf32>,
        %parallel_loop3A_315 = tpu.memref_slice %arg11[%parallel_loop3A_295] : memref<8192xf32, #tpu.memory_space<vmem>> -> memref<128xf32, #tpu.memory_space<vmem>>
        %parallel_loop3A_316 = arith.constant 16 : index
        %parallel_loop3A_317 = tpu.vector_load %parallel_loop3A_315[%parallel_loop3A_316] {strides = array<i32>} : memref<128xf32, #tpu.memory_space<vmem>>, vector<16xf32>,
        tpu.vector_store %parallel_loop3A_315[%parallel_loop3A_316], %parallel_loop3A_299 {strides = array<i32>} : memref<128xf32, #tpu.memory_space<vmem>>, vector<16xf32>,
        %parallel_loop3A_318 = tpu.memref_slice %arg11[%parallel_loop3A_295] : memref<8192xf32, #tpu.memory_space<vmem>> -> memref<128xf32, #tpu.memory_space<vmem>>
        %parallel_loop3A_319 = arith.constant 32 : index
        %parallel_loop3A_320 = tpu.vector_load %parallel_loop3A_318[%parallel_loop3A_319] {strides = array<i32>} : memref<128xf32, #tpu.memory_space<vmem>>, vector<16xf32>,
        tpu.vector_store %parallel_loop3A_318[%parallel_loop3A_319], %parallel_loop3A_301 {strides = array<i32>} : memref<128xf32, #tpu.memory_space<vmem>>, vector<16xf32>,
        %parallel_loop3A_321 = tpu.memref_slice %arg11[%parallel_loop3A_295] : memref<8192xf32, #tpu.memory_space<vmem>> -> memref<128xf32, #tpu.memory_space<vmem>>
        %parallel_loop3A_322 = arith.constant 48 : index
        %parallel_loop3A_323 = tpu.vector_load %parallel_loop3A_321[%parallel_loop3A_322] {strides = array<i32>} : memref<128xf32, #tpu.memory_space<vmem>>, vector<16xf32>,
        tpu.vector_store %parallel_loop3A_321[%parallel_loop3A_322], %parallel_loop3A_303 {strides = array<i32>} : memref<128xf32, #tpu.memory_space<vmem>>, vector<16xf32>,
        %parallel_loop3A_324 = tpu.memref_slice %arg11[%parallel_loop3A_295] : memref<8192xf32, #tpu.memory_space<vmem>> -> memref<128xf32, #tpu.memory_space<vmem>>
        %parallel_loop3A_325 = arith.constant 64 : index
        %parallel_loop3A_326 = tpu.vector_load %parallel_loop3A_324[%parallel_loop3A_325] {strides = array<i32>} : memref<128xf32, #tpu.memory_space<vmem>>, vector<16xf32>,
        tpu.vector_store %parallel_loop3A_324[%parallel_loop3A_325], %parallel_loop3A_305 {strides = array<i32>} : memref<128xf32, #tpu.memory_space<vmem>>, vector<16xf32>,
        %parallel_loop3A_327 = tpu.memref_slice %arg11[%parallel_loop3A_295] : memref<8192xf32, #tpu.memory_space<vmem>> -> memref<128xf32, #tpu.memory_space<vmem>>
        %parallel_loop3A_328 = arith.constant 80 : index
        %parallel_loop3A_329 = tpu.vector_load %parallel_loop3A_327[%parallel_loop3A_328] {strides = array<i32>} : memref<128xf32, #tpu.memory_space<vmem>>, vector<16xf32>,
        tpu.vector_store %parallel_loop3A_327[%parallel_loop3A_328], %parallel_loop3A_307 {strides = array<i32>} : memref<128xf32, #tpu.memory_space<vmem>>, vector<16xf32>,
        %parallel_loop3A_330 = tpu.memref_slice %arg11[%parallel_loop3A_295] : memref<8192xf32, #tpu.memory_space<vmem>> -> memref<128xf32, #tpu.memory_space<vmem>>
        %parallel_loop3A_331 = arith.constant 96 : index
        %parallel_loop3A_332 = tpu.vector_load %parallel_loop3A_330[%parallel_loop3A_331] {strides = array<i32>} : memref<128xf32, #tpu.memory_space<vmem>>, vector<16xf32>,
        tpu.vector_store %parallel_loop3A_330[%parallel_loop3A_331], %parallel_loop3A_309 {strides = array<i32>} : memref<128xf32, #tpu.memory_space<vmem>>, vector<16xf32>,
        %parallel_loop3A_333 = tpu.memref_slice %arg11[%parallel_loop3A_295] : memref<8192xf32, #tpu.memory_space<vmem>> -> memref<128xf32, #tpu.memory_space<vmem>>
        %parallel_loop3A_334 = arith.constant 112 : index
        %parallel_loop3A_335 = tpu.vector_load %parallel_loop3A_333[%parallel_loop3A_334] {strides = array<i32>} : memref<128xf32, #tpu.memory_space<vmem>>, vector<16xf32>,
        tpu.vector_store %parallel_loop3A_333[%parallel_loop3A_334], %parallel_loop3A_311 {strides = array<i32>} : memref<128xf32, #tpu.memory_space<vmem>>, vector<16xf32>,
      } {sc.loop_unroll_factor = 2 : i64, sc.parallel_access}
      %mul3A_226 = arith.constant 8192 : i32
      %mul3A_227 = arith.muli %add3A_214, %mul3A_226 : i32
      %add3A_228 = arith.addi %mul3A_26, %mul3A_227 : i32
      %dma_start3A_229 = tpu.memref_slice %arg4[%add3A_228] : memref<33554432xf32, #tpu.memory_space<hbm>> -> memref<8192xf32, #tpu.memory_space<hbm>>
      %dma_start3A_230 = tpu.memref_slice %arg4[%add3A_228] : memref<33554432xf32, #tpu.memory_space<hbm>> -> memref<8192xf32, #tpu.memory_space<hbm>>
      tpu.enqueue_dma source(%arg11 : memref<8192xf32, #tpu.memory_space<vmem>>) target(%dma_start3A_230 : memref<8192xf32, #tpu.memory_space<hbm>>) target_semaphore(%arg19 : memref<!tpu.dma_semaphore, #tpu.memory_space<semaphore_mem>>)
      %add3A_231 = arith.constant 4 : i32
      %add3A_232 = arith.addi %add3A_214, %add3A_231 : i32
      %mul3A_233 = arith.constant 8192 : i32
      %mul3A_234 = arith.muli %add3A_232, %mul3A_233 : i32
      %add3A_235 = arith.addi %mul3A_26, %mul3A_234 : i32
      %dma_start3A_236 = tpu.memref_slice %arg2[%add3A_235] : memref<33554432xf32, #tpu.memory_space<hbm>> -> memref<8192xf32, #tpu.memory_space<hbm>>
      %dma_start3A_237 = tpu.memref_slice %arg2[%add3A_235] : memref<33554432xf32, #tpu.memory_space<hbm>> -> memref<8192xf32, #tpu.memory_space<hbm>>
      tpu.enqueue_dma source(%dma_start3A_237 : memref<8192xf32, #tpu.memory_space<hbm>>) target(%arg7 : memref<8192xf32, #tpu.memory_space<vmem>>) target_semaphore(%arg15 : memref<!tpu.dma_semaphore, #tpu.memory_space<semaphore_mem>>)
      %mul3A_238 = arith.constant 4 : i32
      %mul3A_239 = arith.muli %mul3A_238, %scan3A_182 : i32
      %add3A_240 = arith.constant 2 : i32
      %add3A_241 = arith.addi %mul3A_239, %add3A_240 : i32
      %dma_wait3A_242 = arith.constant 0 : i32
      %dma_wait3A_243 = tpu.memref_slice %arg2[%dma_wait3A_242] : memref<33554432xf32, #tpu.memory_space<hbm>> -> memref<8192xf32, #tpu.memory_space<hbm>>
      %dma_wait3A_244 = arith.constant 0 : i32
      %dma_wait3A_245 = tpu.memref_slice %arg2[%dma_wait3A_244] : memref<33554432xf32, #tpu.memory_space<hbm>> -> memref<8192xf32, #tpu.memory_space<hbm>>
      tpu.wait_dma2 semaphore(%arg16 : memref<!tpu.dma_semaphore, #tpu.memory_space<semaphore_mem>>) src(%dma_wait3A_245 : memref<8192xf32, #tpu.memory_space<hbm>>) dst(%arg8 : memref<8192xf32, #tpu.memory_space<vmem>>)
      %dma_wait3A_246 = arith.constant 0 : i32
      %dma_wait3A_247 = tpu.memref_slice %arg4[%dma_wait3A_246] : memref<33554432xf32, #tpu.memory_space<hbm>> -> memref<8192xf32, #tpu.memory_space<hbm>>
      %dma_wait3A_248 = arith.constant 0 : i32
      %dma_wait3A_249 = tpu.memref_slice %arg4[%dma_wait3A_248] : memref<33554432xf32, #tpu.memory_space<hbm>> -> memref<8192xf32, #tpu.memory_space<hbm>>
      tpu.wait_dma2 semaphore(%arg20 : memref<!tpu.dma_semaphore, #tpu.memory_space<semaphore_mem>>) src(%arg12 : memref<8192xf32, #tpu.memory_space<vmem>>) dst(%dma_wait3A_249 : memref<8192xf32, #tpu.memory_space<hbm>>)
      %parallel_loop3A_250 = arith.constant 0 : i32
      %parallel_loop3A_251 = arith.constant 64 : i32
      %parallel_loop3A_252 = arith.constant 1 : i32
      scf.for %parallel_loop3A_293 = %parallel_loop3A_250 to %parallel_loop3A_251 step %parallel_loop3A_252  : i32 {
        %parallel_loop3A_294 = arith.constant 128 : i32
        %parallel_loop3A_295 = arith.muli %parallel_loop3A_293, %parallel_loop3A_294 : i32
        %parallel_loop3A_296 = tpu.memref_slice %arg8[%parallel_loop3A_295] : memref<8192xf32, #tpu.memory_space<vmem>> -> memref<128xf32, #tpu.memory_space<vmem>>
        %parallel_loop3A_297 = tpu.vector_load_idx %parallel_loop3A_296[%convert_element_type3A] : memref<128xf32, #tpu.memory_space<vmem>>[vector<16xi32>], vector<16xf32>,
        %parallel_loop3A_298 = tpu.memref_slice %arg8[%parallel_loop3A_295] : memref<8192xf32, #tpu.memory_space<vmem>> -> memref<128xf32, #tpu.memory_space<vmem>>
        %parallel_loop3A_299 = tpu.vector_load_idx %parallel_loop3A_298[%convert_element_type3A_4] : memref<128xf32, #tpu.memory_space<vmem>>[vector<16xi32>], vector<16xf32>,
        %parallel_loop3A_300 = tpu.memref_slice %arg8[%parallel_loop3A_295] : memref<8192xf32, #tpu.memory_space<vmem>> -> memref<128xf32, #tpu.memory_space<vmem>>
        %parallel_loop3A_301 = tpu.vector_load_idx %parallel_loop3A_300[%convert_element_type3A_7] : memref<128xf32, #tpu.memory_space<vmem>>[vector<16xi32>], vector<16xf32>,
        %parallel_loop3A_302 = tpu.memref_slice %arg8[%parallel_loop3A_295] : memref<8192xf32, #tpu.memory_space<vmem>> -> memref<128xf32, #tpu.memory_space<vmem>>
        %parallel_loop3A_303 = tpu.vector_load_idx %parallel_loop3A_302[%convert_element_type3A_10] : memref<128xf32, #tpu.memory_space<vmem>>[vector<16xi32>], vector<16xf32>,
        %parallel_loop3A_304 = tpu.memref_slice %arg8[%parallel_loop3A_295] : memref<8192xf32, #tpu.memory_space<vmem>> -> memref<128xf32, #tpu.memory_space<vmem>>
        %parallel_loop3A_305 = tpu.vector_load_idx %parallel_loop3A_304[%convert_element_type3A_13] : memref<128xf32, #tpu.memory_space<vmem>>[vector<16xi32>], vector<16xf32>,
        %parallel_loop3A_306 = tpu.memref_slice %arg8[%parallel_loop3A_295] : memref<8192xf32, #tpu.memory_space<vmem>> -> memref<128xf32, #tpu.memory_space<vmem>>
        %parallel_loop3A_307 = tpu.vector_load_idx %parallel_loop3A_306[%convert_element_type3A_16] : memref<128xf32, #tpu.memory_space<vmem>>[vector<16xi32>], vector<16xf32>,
        %parallel_loop3A_308 = tpu.memref_slice %arg8[%parallel_loop3A_295] : memref<8192xf32, #tpu.memory_space<vmem>> -> memref<128xf32, #tpu.memory_space<vmem>>
        %parallel_loop3A_309 = tpu.vector_load_idx %parallel_loop3A_308[%convert_element_type3A_19] : memref<128xf32, #tpu.memory_space<vmem>>[vector<16xi32>], vector<16xf32>,
        %parallel_loop3A_310 = tpu.memref_slice %arg8[%parallel_loop3A_295] : memref<8192xf32, #tpu.memory_space<vmem>> -> memref<128xf32, #tpu.memory_space<vmem>>
        %parallel_loop3A_311 = tpu.vector_load_idx %parallel_loop3A_310[%convert_element_type3A_22] : memref<128xf32, #tpu.memory_space<vmem>>[vector<16xi32>], vector<16xf32>,
        %parallel_loop3A_312 = tpu.memref_slice %arg12[%parallel_loop3A_295] : memref<8192xf32, #tpu.memory_space<vmem>> -> memref<128xf32, #tpu.memory_space<vmem>>
        %parallel_loop3A_313 = arith.constant 0 : index
        %parallel_loop3A_314 = tpu.vector_load %parallel_loop3A_312[%parallel_loop3A_313] {strides = array<i32>} : memref<128xf32, #tpu.memory_space<vmem>>, vector<16xf32>,
        tpu.vector_store %parallel_loop3A_312[%parallel_loop3A_313], %parallel_loop3A_297 {strides = array<i32>} : memref<128xf32, #tpu.memory_space<vmem>>, vector<16xf32>,
        %parallel_loop3A_315 = tpu.memref_slice %arg12[%parallel_loop3A_295] : memref<8192xf32, #tpu.memory_space<vmem>> -> memref<128xf32, #tpu.memory_space<vmem>>
        %parallel_loop3A_316 = arith.constant 16 : index
        %parallel_loop3A_317 = tpu.vector_load %parallel_loop3A_315[%parallel_loop3A_316] {strides = array<i32>} : memref<128xf32, #tpu.memory_space<vmem>>, vector<16xf32>,
        tpu.vector_store %parallel_loop3A_315[%parallel_loop3A_316], %parallel_loop3A_299 {strides = array<i32>} : memref<128xf32, #tpu.memory_space<vmem>>, vector<16xf32>,
        %parallel_loop3A_318 = tpu.memref_slice %arg12[%parallel_loop3A_295] : memref<8192xf32, #tpu.memory_space<vmem>> -> memref<128xf32, #tpu.memory_space<vmem>>
        %parallel_loop3A_319 = arith.constant 32 : index
        %parallel_loop3A_320 = tpu.vector_load %parallel_loop3A_318[%parallel_loop3A_319] {strides = array<i32>} : memref<128xf32, #tpu.memory_space<vmem>>, vector<16xf32>,
        tpu.vector_store %parallel_loop3A_318[%parallel_loop3A_319], %parallel_loop3A_301 {strides = array<i32>} : memref<128xf32, #tpu.memory_space<vmem>>, vector<16xf32>,
        %parallel_loop3A_321 = tpu.memref_slice %arg12[%parallel_loop3A_295] : memref<8192xf32, #tpu.memory_space<vmem>> -> memref<128xf32, #tpu.memory_space<vmem>>
        %parallel_loop3A_322 = arith.constant 48 : index
        %parallel_loop3A_323 = tpu.vector_load %parallel_loop3A_321[%parallel_loop3A_322] {strides = array<i32>} : memref<128xf32, #tpu.memory_space<vmem>>, vector<16xf32>,
        tpu.vector_store %parallel_loop3A_321[%parallel_loop3A_322], %parallel_loop3A_303 {strides = array<i32>} : memref<128xf32, #tpu.memory_space<vmem>>, vector<16xf32>,
        %parallel_loop3A_324 = tpu.memref_slice %arg12[%parallel_loop3A_295] : memref<8192xf32, #tpu.memory_space<vmem>> -> memref<128xf32, #tpu.memory_space<vmem>>
        %parallel_loop3A_325 = arith.constant 64 : index
        %parallel_loop3A_326 = tpu.vector_load %parallel_loop3A_324[%parallel_loop3A_325] {strides = array<i32>} : memref<128xf32, #tpu.memory_space<vmem>>, vector<16xf32>,
        tpu.vector_store %parallel_loop3A_324[%parallel_loop3A_325], %parallel_loop3A_305 {strides = array<i32>} : memref<128xf32, #tpu.memory_space<vmem>>, vector<16xf32>,
        %parallel_loop3A_327 = tpu.memref_slice %arg12[%parallel_loop3A_295] : memref<8192xf32, #tpu.memory_space<vmem>> -> memref<128xf32, #tpu.memory_space<vmem>>
        %parallel_loop3A_328 = arith.constant 80 : index
        %parallel_loop3A_329 = tpu.vector_load %parallel_loop3A_327[%parallel_loop3A_328] {strides = array<i32>} : memref<128xf32, #tpu.memory_space<vmem>>, vector<16xf32>,
        tpu.vector_store %parallel_loop3A_327[%parallel_loop3A_328], %parallel_loop3A_307 {strides = array<i32>} : memref<128xf32, #tpu.memory_space<vmem>>, vector<16xf32>,
        %parallel_loop3A_330 = tpu.memref_slice %arg12[%parallel_loop3A_295] : memref<8192xf32, #tpu.memory_space<vmem>> -> memref<128xf32, #tpu.memory_space<vmem>>
        %parallel_loop3A_331 = arith.constant 96 : index
        %parallel_loop3A_332 = tpu.vector_load %parallel_loop3A_330[%parallel_loop3A_331] {strides = array<i32>} : memref<128xf32, #tpu.memory_space<vmem>>, vector<16xf32>,
        tpu.vector_store %parallel_loop3A_330[%parallel_loop3A_331], %parallel_loop3A_309 {strides = array<i32>} : memref<128xf32, #tpu.memory_space<vmem>>, vector<16xf32>,
        %parallel_loop3A_333 = tpu.memref_slice %arg12[%parallel_loop3A_295] : memref<8192xf32, #tpu.memory_space<vmem>> -> memref<128xf32, #tpu.memory_space<vmem>>
        %parallel_loop3A_334 = arith.constant 112 : index
        %parallel_loop3A_335 = tpu.vector_load %parallel_loop3A_333[%parallel_loop3A_334] {strides = array<i32>} : memref<128xf32, #tpu.memory_space<vmem>>, vector<16xf32>,
        tpu.vector_store %parallel_loop3A_333[%parallel_loop3A_334], %parallel_loop3A_311 {strides = array<i32>} : memref<128xf32, #tpu.memory_space<vmem>>, vector<16xf32>,
      } {sc.loop_unroll_factor = 2 : i64, sc.parallel_access}
      %mul3A_253 = arith.constant 8192 : i32
      %mul3A_254 = arith.muli %add3A_241, %mul3A_253 : i32
      %add3A_255 = arith.addi %mul3A_26, %mul3A_254 : i32
      %dma_start3A_256 = tpu.memref_slice %arg4[%add3A_255] : memref<33554432xf32, #tpu.memory_space<hbm>> -> memref<8192xf32, #tpu.memory_space<hbm>>
      %dma_start3A_257 = tpu.memref_slice %arg4[%add3A_255] : memref<33554432xf32, #tpu.memory_space<hbm>> -> memref<8192xf32, #tpu.memory_space<hbm>>
      tpu.enqueue_dma source(%arg12 : memref<8192xf32, #tpu.memory_space<vmem>>) target(%dma_start3A_257 : memref<8192xf32, #tpu.memory_space<hbm>>) target_semaphore(%arg20 : memref<!tpu.dma_semaphore, #tpu.memory_space<semaphore_mem>>)
      %add3A_258 = arith.constant 4 : i32
      %add3A_259 = arith.addi %add3A_241, %add3A_258 : i32
      %mul3A_260 = arith.constant 8192 : i32
      %mul3A_261 = arith.muli %add3A_259, %mul3A_260 : i32
      %add3A_262 = arith.addi %mul3A_26, %mul3A_261 : i32
      %dma_start3A_263 = tpu.memref_slice %arg2[%add3A_262] : memref<33554432xf32, #tpu.memory_space<hbm>> -> memref<8192xf32, #tpu.memory_space<hbm>>
      %dma_start3A_264 = tpu.memref_slice %arg2[%add3A_262] : memref<33554432xf32, #tpu.memory_space<hbm>> -> memref<8192xf32, #tpu.memory_space<hbm>>
      tpu.enqueue_dma source(%dma_start3A_264 : memref<8192xf32, #tpu.memory_space<hbm>>) target(%arg8 : memref<8192xf32, #tpu.memory_space<vmem>>) target_semaphore(%arg16 : memref<!tpu.dma_semaphore, #tpu.memory_space<semaphore_mem>>)
      %mul3A_265 = arith.constant 4 : i32
      %mul3A_266 = arith.muli %mul3A_265, %scan3A_182 : i32
      %add3A_267 = arith.constant 3 : i32
      %add3A_268 = arith.addi %mul3A_266, %add3A_267 : i32
      %dma_wait3A_269 = arith.constant 0 : i32
      %dma_wait3A_270 = tpu.memref_slice %arg2[%dma_wait3A_269] : memref<33554432xf32, #tpu.memory_space<hbm>> -> memref<8192xf32, #tpu.memory_space<hbm>>
      %dma_wait3A_271 = arith.constant 0 : i32
      %dma_wait3A_272 = tpu.memref_slice %arg2[%dma_wait3A_271] : memref<33554432xf32, #tpu.memory_space<hbm>> -> memref<8192xf32, #tpu.memory_space<hbm>>
      tpu.wait_dma2 semaphore(%arg17 : memref<!tpu.dma_semaphore, #tpu.memory_space<semaphore_mem>>) src(%dma_wait3A_272 : memref<8192xf32, #tpu.memory_space<hbm>>) dst(%arg9 : memref<8192xf32, #tpu.memory_space<vmem>>)
      %dma_wait3A_273 = arith.constant 0 : i32
      %dma_wait3A_274 = tpu.memref_slice %arg4[%dma_wait3A_273] : memref<33554432xf32, #tpu.memory_space<hbm>> -> memref<8192xf32, #tpu.memory_space<hbm>>
      %dma_wait3A_275 = arith.constant 0 : i32
      %dma_wait3A_276 = tpu.memref_slice %arg4[%dma_wait3A_275] : memref<33554432xf32, #tpu.memory_space<hbm>> -> memref<8192xf32, #tpu.memory_space<hbm>>
      tpu.wait_dma2 semaphore(%arg21 : memref<!tpu.dma_semaphore, #tpu.memory_space<semaphore_mem>>) src(%arg13 : memref<8192xf32, #tpu.memory_space<vmem>>) dst(%dma_wait3A_276 : memref<8192xf32, #tpu.memory_space<hbm>>)
      %parallel_loop3A_277 = arith.constant 0 : i32
      %parallel_loop3A_278 = arith.constant 64 : i32
      %parallel_loop3A_279 = arith.constant 1 : i32
      scf.for %parallel_loop3A_293 = %parallel_loop3A_277 to %parallel_loop3A_278 step %parallel_loop3A_279  : i32 {
        %parallel_loop3A_294 = arith.constant 128 : i32
        %parallel_loop3A_295 = arith.muli %parallel_loop3A_293, %parallel_loop3A_294 : i32
        %parallel_loop3A_296 = tpu.memref_slice %arg9[%parallel_loop3A_295] : memref<8192xf32, #tpu.memory_space<vmem>> -> memref<128xf32, #tpu.memory_space<vmem>>
        %parallel_loop3A_297 = tpu.vector_load_idx %parallel_loop3A_296[%convert_element_type3A] : memref<128xf32, #tpu.memory_space<vmem>>[vector<16xi32>], vector<16xf32>,
        %parallel_loop3A_298 = tpu.memref_slice %arg9[%parallel_loop3A_295] : memref<8192xf32, #tpu.memory_space<vmem>> -> memref<128xf32, #tpu.memory_space<vmem>>
        %parallel_loop3A_299 = tpu.vector_load_idx %parallel_loop3A_298[%convert_element_type3A_4] : memref<128xf32, #tpu.memory_space<vmem>>[vector<16xi32>], vector<16xf32>,
        %parallel_loop3A_300 = tpu.memref_slice %arg9[%parallel_loop3A_295] : memref<8192xf32, #tpu.memory_space<vmem>> -> memref<128xf32, #tpu.memory_space<vmem>>
        %parallel_loop3A_301 = tpu.vector_load_idx %parallel_loop3A_300[%convert_element_type3A_7] : memref<128xf32, #tpu.memory_space<vmem>>[vector<16xi32>], vector<16xf32>,
        %parallel_loop3A_302 = tpu.memref_slice %arg9[%parallel_loop3A_295] : memref<8192xf32, #tpu.memory_space<vmem>> -> memref<128xf32, #tpu.memory_space<vmem>>
        %parallel_loop3A_303 = tpu.vector_load_idx %parallel_loop3A_302[%convert_element_type3A_10] : memref<128xf32, #tpu.memory_space<vmem>>[vector<16xi32>], vector<16xf32>,
        %parallel_loop3A_304 = tpu.memref_slice %arg9[%parallel_loop3A_295] : memref<8192xf32, #tpu.memory_space<vmem>> -> memref<128xf32, #tpu.memory_space<vmem>>
        %parallel_loop3A_305 = tpu.vector_load_idx %parallel_loop3A_304[%convert_element_type3A_13] : memref<128xf32, #tpu.memory_space<vmem>>[vector<16xi32>], vector<16xf32>,
        %parallel_loop3A_306 = tpu.memref_slice %arg9[%parallel_loop3A_295] : memref<8192xf32, #tpu.memory_space<vmem>> -> memref<128xf32, #tpu.memory_space<vmem>>
        %parallel_loop3A_307 = tpu.vector_load_idx %parallel_loop3A_306[%convert_element_type3A_16] : memref<128xf32, #tpu.memory_space<vmem>>[vector<16xi32>], vector<16xf32>,
        %parallel_loop3A_308 = tpu.memref_slice %arg9[%parallel_loop3A_295] : memref<8192xf32, #tpu.memory_space<vmem>> -> memref<128xf32, #tpu.memory_space<vmem>>
        %parallel_loop3A_309 = tpu.vector_load_idx %parallel_loop3A_308[%convert_element_type3A_19] : memref<128xf32, #tpu.memory_space<vmem>>[vector<16xi32>], vector<16xf32>,
        %parallel_loop3A_310 = tpu.memref_slice %arg9[%parallel_loop3A_295] : memref<8192xf32, #tpu.memory_space<vmem>> -> memref<128xf32, #tpu.memory_space<vmem>>
        %parallel_loop3A_311 = tpu.vector_load_idx %parallel_loop3A_310[%convert_element_type3A_22] : memref<128xf32, #tpu.memory_space<vmem>>[vector<16xi32>], vector<16xf32>,
        %parallel_loop3A_312 = tpu.memref_slice %arg13[%parallel_loop3A_295] : memref<8192xf32, #tpu.memory_space<vmem>> -> memref<128xf32, #tpu.memory_space<vmem>>
        %parallel_loop3A_313 = arith.constant 0 : index
        %parallel_loop3A_314 = tpu.vector_load %parallel_loop3A_312[%parallel_loop3A_313] {strides = array<i32>} : memref<128xf32, #tpu.memory_space<vmem>>, vector<16xf32>,
        tpu.vector_store %parallel_loop3A_312[%parallel_loop3A_313], %parallel_loop3A_297 {strides = array<i32>} : memref<128xf32, #tpu.memory_space<vmem>>, vector<16xf32>,
        %parallel_loop3A_315 = tpu.memref_slice %arg13[%parallel_loop3A_295] : memref<8192xf32, #tpu.memory_space<vmem>> -> memref<128xf32, #tpu.memory_space<vmem>>
        %parallel_loop3A_316 = arith.constant 16 : index
        %parallel_loop3A_317 = tpu.vector_load %parallel_loop3A_315[%parallel_loop3A_316] {strides = array<i32>} : memref<128xf32, #tpu.memory_space<vmem>>, vector<16xf32>,
        tpu.vector_store %parallel_loop3A_315[%parallel_loop3A_316], %parallel_loop3A_299 {strides = array<i32>} : memref<128xf32, #tpu.memory_space<vmem>>, vector<16xf32>,
        %parallel_loop3A_318 = tpu.memref_slice %arg13[%parallel_loop3A_295] : memref<8192xf32, #tpu.memory_space<vmem>> -> memref<128xf32, #tpu.memory_space<vmem>>
        %parallel_loop3A_319 = arith.constant 32 : index
        %parallel_loop3A_320 = tpu.vector_load %parallel_loop3A_318[%parallel_loop3A_319] {strides = array<i32>} : memref<128xf32, #tpu.memory_space<vmem>>, vector<16xf32>,
        tpu.vector_store %parallel_loop3A_318[%parallel_loop3A_319], %parallel_loop3A_301 {strides = array<i32>} : memref<128xf32, #tpu.memory_space<vmem>>, vector<16xf32>,
        %parallel_loop3A_321 = tpu.memref_slice %arg13[%parallel_loop3A_295] : memref<8192xf32, #tpu.memory_space<vmem>> -> memref<128xf32, #tpu.memory_space<vmem>>
        %parallel_loop3A_322 = arith.constant 48 : index
        %parallel_loop3A_323 = tpu.vector_load %parallel_loop3A_321[%parallel_loop3A_322] {strides = array<i32>} : memref<128xf32, #tpu.memory_space<vmem>>, vector<16xf32>,
        tpu.vector_store %parallel_loop3A_321[%parallel_loop3A_322], %parallel_loop3A_303 {strides = array<i32>} : memref<128xf32, #tpu.memory_space<vmem>>, vector<16xf32>,
        %parallel_loop3A_324 = tpu.memref_slice %arg13[%parallel_loop3A_295] : memref<8192xf32, #tpu.memory_space<vmem>> -> memref<128xf32, #tpu.memory_space<vmem>>
        %parallel_loop3A_325 = arith.constant 64 : index
        %parallel_loop3A_326 = tpu.vector_load %parallel_loop3A_324[%parallel_loop3A_325] {strides = array<i32>} : memref<128xf32, #tpu.memory_space<vmem>>, vector<16xf32>,
        tpu.vector_store %parallel_loop3A_324[%parallel_loop3A_325], %parallel_loop3A_305 {strides = array<i32>} : memref<128xf32, #tpu.memory_space<vmem>>, vector<16xf32>,
        %parallel_loop3A_327 = tpu.memref_slice %arg13[%parallel_loop3A_295] : memref<8192xf32, #tpu.memory_space<vmem>> -> memref<128xf32, #tpu.memory_space<vmem>>
        %parallel_loop3A_328 = arith.constant 80 : index
        %parallel_loop3A_329 = tpu.vector_load %parallel_loop3A_327[%parallel_loop3A_328] {strides = array<i32>} : memref<128xf32, #tpu.memory_space<vmem>>, vector<16xf32>,
        tpu.vector_store %parallel_loop3A_327[%parallel_loop3A_328], %parallel_loop3A_307 {strides = array<i32>} : memref<128xf32, #tpu.memory_space<vmem>>, vector<16xf32>,
        %parallel_loop3A_330 = tpu.memref_slice %arg13[%parallel_loop3A_295] : memref<8192xf32, #tpu.memory_space<vmem>> -> memref<128xf32, #tpu.memory_space<vmem>>
        %parallel_loop3A_331 = arith.constant 96 : index
        %parallel_loop3A_332 = tpu.vector_load %parallel_loop3A_330[%parallel_loop3A_331] {strides = array<i32>} : memref<128xf32, #tpu.memory_space<vmem>>, vector<16xf32>,
        tpu.vector_store %parallel_loop3A_330[%parallel_loop3A_331], %parallel_loop3A_309 {strides = array<i32>} : memref<128xf32, #tpu.memory_space<vmem>>, vector<16xf32>,
        %parallel_loop3A_333 = tpu.memref_slice %arg13[%parallel_loop3A_295] : memref<8192xf32, #tpu.memory_space<vmem>> -> memref<128xf32, #tpu.memory_space<vmem>>
        %parallel_loop3A_334 = arith.constant 112 : index
        %parallel_loop3A_335 = tpu.vector_load %parallel_loop3A_333[%parallel_loop3A_334] {strides = array<i32>} : memref<128xf32, #tpu.memory_space<vmem>>, vector<16xf32>,
        tpu.vector_store %parallel_loop3A_333[%parallel_loop3A_334], %parallel_loop3A_311 {strides = array<i32>} : memref<128xf32, #tpu.memory_space<vmem>>, vector<16xf32>,
      } {sc.loop_unroll_factor = 2 : i64, sc.parallel_access}
      %mul3A_280 = arith.constant 8192 : i32
      %mul3A_281 = arith.muli %add3A_268, %mul3A_280 : i32
      %add3A_282 = arith.addi %mul3A_26, %mul3A_281 : i32
      %dma_start3A_283 = tpu.memref_slice %arg4[%add3A_282] : memref<33554432xf32, #tpu.memory_space<hbm>> -> memref<8192xf32, #tpu.memory_space<hbm>>
      %dma_start3A_284 = tpu.memref_slice %arg4[%add3A_282] : memref<33554432xf32, #tpu.memory_space<hbm>> -> memref<8192xf32, #tpu.memory_space<hbm>>
      tpu.enqueue_dma source(%arg13 : memref<8192xf32, #tpu.memory_space<vmem>>) target(%dma_start3A_284 : memref<8192xf32, #tpu.memory_space<hbm>>) target_semaphore(%arg21 : memref<!tpu.dma_semaphore, #tpu.memory_space<semaphore_mem>>)
      %add3A_285 = arith.constant 4 : i32
      %add3A_286 = arith.addi %add3A_268, %add3A_285 : i32
      %mul3A_287 = arith.constant 8192 : i32
      %mul3A_288 = arith.muli %add3A_286, %mul3A_287 : i32
      %add3A_289 = arith.addi %mul3A_26, %mul3A_288 : i32
      %dma_start3A_290 = tpu.memref_slice %arg2[%add3A_289] : memref<33554432xf32, #tpu.memory_space<hbm>> -> memref<8192xf32, #tpu.memory_space<hbm>>
      %dma_start3A_291 = tpu.memref_slice %arg2[%add3A_289] : memref<33554432xf32, #tpu.memory_space<hbm>> -> memref<8192xf32, #tpu.memory_space<hbm>>
      tpu.enqueue_dma source(%dma_start3A_291 : memref<8192xf32, #tpu.memory_space<hbm>>) target(%arg9 : memref<8192xf32, #tpu.memory_space<vmem>>) target_semaphore(%arg17 : memref<!tpu.dma_semaphore, #tpu.memory_space<semaphore_mem>>)
      %scan3A_292 = arith.constant 0 : i32
      scf.yield %scan3A_292 : i32
    }
    %scan3A_105 = arith.constant 30 : i32
    %dma_wait3A_106 = arith.constant 0 : i32
    %dma_wait3A_107 = tpu.memref_slice %arg2[%dma_wait3A_106] : memref<33554432xf32, #tpu.memory_space<hbm>> -> memref<8192xf32, #tpu.memory_space<hbm>>
    %dma_wait3A_108 = arith.constant 0 : i32
    %dma_wait3A_109 = tpu.memref_slice %arg2[%dma_wait3A_108] : memref<33554432xf32, #tpu.memory_space<hbm>> -> memref<8192xf32, #tpu.memory_space<hbm>>
    tpu.wait_dma2 semaphore(%arg14 : memref<!tpu.dma_semaphore, #tpu.memory_space<semaphore_mem>>) src(%dma_wait3A_109 : memref<8192xf32, #tpu.memory_space<hbm>>) dst(%arg6 : memref<8192xf32, #tpu.memory_space<vmem>>)
    %dma_wait3A_110 = arith.constant 0 : i32
    %dma_wait3A_111 = tpu.memref_slice %arg4[%dma_wait3A_110] : memref<33554432xf32, #tpu.memory_space<hbm>> -> memref<8192xf32, #tpu.memory_space<hbm>>
    %dma_wait3A_112 = arith.constant 0 : i32
    %dma_wait3A_113 = tpu.memref_slice %arg4[%dma_wait3A_112] : memref<33554432xf32, #tpu.memory_space<hbm>> -> memref<8192xf32, #tpu.memory_space<hbm>>
    tpu.wait_dma2 semaphore(%arg18 : memref<!tpu.dma_semaphore, #tpu.memory_space<semaphore_mem>>) src(%arg10 : memref<8192xf32, #tpu.memory_space<vmem>>) dst(%dma_wait3A_113 : memref<8192xf32, #tpu.memory_space<hbm>>)
    %parallel_loop3A_114 = arith.constant 0 : i32
    %parallel_loop3A_115 = arith.constant 64 : i32
    %parallel_loop3A_116 = arith.constant 1 : i32
    scf.for %parallel_loop3A_182 = %parallel_loop3A_114 to %parallel_loop3A_115 step %parallel_loop3A_116  : i32 {
      %parallel_loop3A_183 = arith.constant 128 : i32
      %parallel_loop3A_184 = arith.muli %parallel_loop3A_182, %parallel_loop3A_183 : i32
      %parallel_loop3A_185 = tpu.memref_slice %arg6[%parallel_loop3A_184] : memref<8192xf32, #tpu.memory_space<vmem>> -> memref<128xf32, #tpu.memory_space<vmem>>
      %parallel_loop3A_186 = tpu.vector_load_idx %parallel_loop3A_185[%convert_element_type3A] : memref<128xf32, #tpu.memory_space<vmem>>[vector<16xi32>], vector<16xf32>,
      %parallel_loop3A_187 = tpu.memref_slice %arg6[%parallel_loop3A_184] : memref<8192xf32, #tpu.memory_space<vmem>> -> memref<128xf32, #tpu.memory_space<vmem>>
      %parallel_loop3A_188 = tpu.vector_load_idx %parallel_loop3A_187[%convert_element_type3A_4] : memref<128xf32, #tpu.memory_space<vmem>>[vector<16xi32>], vector<16xf32>,
      %parallel_loop3A_189 = tpu.memref_slice %arg6[%parallel_loop3A_184] : memref<8192xf32, #tpu.memory_space<vmem>> -> memref<128xf32, #tpu.memory_space<vmem>>
      %parallel_loop3A_190 = tpu.vector_load_idx %parallel_loop3A_189[%convert_element_type3A_7] : memref<128xf32, #tpu.memory_space<vmem>>[vector<16xi32>], vector<16xf32>,
      %parallel_loop3A_191 = tpu.memref_slice %arg6[%parallel_loop3A_184] : memref<8192xf32, #tpu.memory_space<vmem>> -> memref<128xf32, #tpu.memory_space<vmem>>
      %parallel_loop3A_192 = tpu.vector_load_idx %parallel_loop3A_191[%convert_element_type3A_10] : memref<128xf32, #tpu.memory_space<vmem>>[vector<16xi32>], vector<16xf32>,
      %parallel_loop3A_193 = tpu.memref_slice %arg6[%parallel_loop3A_184] : memref<8192xf32, #tpu.memory_space<vmem>> -> memref<128xf32, #tpu.memory_space<vmem>>
      %parallel_loop3A_194 = tpu.vector_load_idx %parallel_loop3A_193[%convert_element_type3A_13] : memref<128xf32, #tpu.memory_space<vmem>>[vector<16xi32>], vector<16xf32>,
      %parallel_loop3A_195 = tpu.memref_slice %arg6[%parallel_loop3A_184] : memref<8192xf32, #tpu.memory_space<vmem>> -> memref<128xf32, #tpu.memory_space<vmem>>
      %parallel_loop3A_196 = tpu.vector_load_idx %parallel_loop3A_195[%convert_element_type3A_16] : memref<128xf32, #tpu.memory_space<vmem>>[vector<16xi32>], vector<16xf32>,
      %parallel_loop3A_197 = tpu.memref_slice %arg6[%parallel_loop3A_184] : memref<8192xf32, #tpu.memory_space<vmem>> -> memref<128xf32, #tpu.memory_space<vmem>>
      %parallel_loop3A_198 = tpu.vector_load_idx %parallel_loop3A_197[%convert_element_type3A_19] : memref<128xf32, #tpu.memory_space<vmem>>[vector<16xi32>], vector<16xf32>,
      %parallel_loop3A_199 = tpu.memref_slice %arg6[%parallel_loop3A_184] : memref<8192xf32, #tpu.memory_space<vmem>> -> memref<128xf32, #tpu.memory_space<vmem>>
      %parallel_loop3A_200 = tpu.vector_load_idx %parallel_loop3A_199[%convert_element_type3A_22] : memref<128xf32, #tpu.memory_space<vmem>>[vector<16xi32>], vector<16xf32>,
      %parallel_loop3A_201 = tpu.memref_slice %arg10[%parallel_loop3A_184] : memref<8192xf32, #tpu.memory_space<vmem>> -> memref<128xf32, #tpu.memory_space<vmem>>
      %parallel_loop3A_202 = arith.constant 0 : index
      %parallel_loop3A_203 = tpu.vector_load %parallel_loop3A_201[%parallel_loop3A_202] {strides = array<i32>} : memref<128xf32, #tpu.memory_space<vmem>>, vector<16xf32>,
      tpu.vector_store %parallel_loop3A_201[%parallel_loop3A_202], %parallel_loop3A_186 {strides = array<i32>} : memref<128xf32, #tpu.memory_space<vmem>>, vector<16xf32>,
      %parallel_loop3A_204 = tpu.memref_slice %arg10[%parallel_loop3A_184] : memref<8192xf32, #tpu.memory_space<vmem>> -> memref<128xf32, #tpu.memory_space<vmem>>
      %parallel_loop3A_205 = arith.constant 16 : index
      %parallel_loop3A_206 = tpu.vector_load %parallel_loop3A_204[%parallel_loop3A_205] {strides = array<i32>} : memref<128xf32, #tpu.memory_space<vmem>>, vector<16xf32>,
      tpu.vector_store %parallel_loop3A_204[%parallel_loop3A_205], %parallel_loop3A_188 {strides = array<i32>} : memref<128xf32, #tpu.memory_space<vmem>>, vector<16xf32>,
      %parallel_loop3A_207 = tpu.memref_slice %arg10[%parallel_loop3A_184] : memref<8192xf32, #tpu.memory_space<vmem>> -> memref<128xf32, #tpu.memory_space<vmem>>
      %parallel_loop3A_208 = arith.constant 32 : index
      %parallel_loop3A_209 = tpu.vector_load %parallel_loop3A_207[%parallel_loop3A_208] {strides = array<i32>} : memref<128xf32, #tpu.memory_space<vmem>>, vector<16xf32>,
      tpu.vector_store %parallel_loop3A_207[%parallel_loop3A_208], %parallel_loop3A_190 {strides = array<i32>} : memref<128xf32, #tpu.memory_space<vmem>>, vector<16xf32>,
      %parallel_loop3A_210 = tpu.memref_slice %arg10[%parallel_loop3A_184] : memref<8192xf32, #tpu.memory_space<vmem>> -> memref<128xf32, #tpu.memory_space<vmem>>
      %parallel_loop3A_211 = arith.constant 48 : index
      %parallel_loop3A_212 = tpu.vector_load %parallel_loop3A_210[%parallel_loop3A_211] {strides = array<i32>} : memref<128xf32, #tpu.memory_space<vmem>>, vector<16xf32>,
      tpu.vector_store %parallel_loop3A_210[%parallel_loop3A_211], %parallel_loop3A_192 {strides = array<i32>} : memref<128xf32, #tpu.memory_space<vmem>>, vector<16xf32>,
      %parallel_loop3A_213 = tpu.memref_slice %arg10[%parallel_loop3A_184] : memref<8192xf32, #tpu.memory_space<vmem>> -> memref<128xf32, #tpu.memory_space<vmem>>
      %parallel_loop3A_214 = arith.constant 64 : index
      %parallel_loop3A_215 = tpu.vector_load %parallel_loop3A_213[%parallel_loop3A_214] {strides = array<i32>} : memref<128xf32, #tpu.memory_space<vmem>>, vector<16xf32>,
      tpu.vector_store %parallel_loop3A_213[%parallel_loop3A_214], %parallel_loop3A_194 {strides = array<i32>} : memref<128xf32, #tpu.memory_space<vmem>>, vector<16xf32>,
      %parallel_loop3A_216 = tpu.memref_slice %arg10[%parallel_loop3A_184] : memref<8192xf32, #tpu.memory_space<vmem>> -> memref<128xf32, #tpu.memory_space<vmem>>
      %parallel_loop3A_217 = arith.constant 80 : index
      %parallel_loop3A_218 = tpu.vector_load %parallel_loop3A_216[%parallel_loop3A_217] {strides = array<i32>} : memref<128xf32, #tpu.memory_space<vmem>>, vector<16xf32>,
      tpu.vector_store %parallel_loop3A_216[%parallel_loop3A_217], %parallel_loop3A_196 {strides = array<i32>} : memref<128xf32, #tpu.memory_space<vmem>>, vector<16xf32>,
      %parallel_loop3A_219 = tpu.memref_slice %arg10[%parallel_loop3A_184] : memref<8192xf32, #tpu.memory_space<vmem>> -> memref<128xf32, #tpu.memory_space<vmem>>
      %parallel_loop3A_220 = arith.constant 96 : index
      %parallel_loop3A_221 = tpu.vector_load %parallel_loop3A_219[%parallel_loop3A_220] {strides = array<i32>} : memref<128xf32, #tpu.memory_space<vmem>>, vector<16xf32>,
      tpu.vector_store %parallel_loop3A_219[%parallel_loop3A_220], %parallel_loop3A_198 {strides = array<i32>} : memref<128xf32, #tpu.memory_space<vmem>>, vector<16xf32>,
      %parallel_loop3A_222 = tpu.memref_slice %arg10[%parallel_loop3A_184] : memref<8192xf32, #tpu.memory_space<vmem>> -> memref<128xf32, #tpu.memory_space<vmem>>
      %parallel_loop3A_223 = arith.constant 112 : index
      %parallel_loop3A_224 = tpu.vector_load %parallel_loop3A_222[%parallel_loop3A_223] {strides = array<i32>} : memref<128xf32, #tpu.memory_space<vmem>>, vector<16xf32>,
      tpu.vector_store %parallel_loop3A_222[%parallel_loop3A_223], %parallel_loop3A_200 {strides = array<i32>} : memref<128xf32, #tpu.memory_space<vmem>>, vector<16xf32>,
    } {sc.loop_unroll_factor = 2 : i64, sc.parallel_access}
    %add3A_117 = arith.constant 1015808 : i32
    %add3A_118 = arith.addi %mul3A_26, %add3A_117 : i32
    %dma_start3A_119 = tpu.memref_slice %arg4[%add3A_118] : memref<33554432xf32, #tpu.memory_space<hbm>> -> memref<8192xf32, #tpu.memory_space<hbm>>
    %dma_start3A_120 = tpu.memref_slice %arg4[%add3A_118] : memref<33554432xf32, #tpu.memory_space<hbm>> -> memref<8192xf32, #tpu.memory_space<hbm>>
    tpu.enqueue_dma source(%arg10 : memref<8192xf32, #tpu.memory_space<vmem>>) target(%dma_start3A_120 : memref<8192xf32, #tpu.memory_space<hbm>>) target_semaphore(%arg18 : memref<!tpu.dma_semaphore, #tpu.memory_space<semaphore_mem>>)
    %dma_wait3A_121 = arith.constant 0 : i32
    %dma_wait3A_122 = tpu.memref_slice %arg2[%dma_wait3A_121] : memref<33554432xf32, #tpu.memory_space<hbm>> -> memref<8192xf32, #tpu.memory_space<hbm>>
    %dma_wait3A_123 = arith.constant 0 : i32
    %dma_wait3A_124 = tpu.memref_slice %arg2[%dma_wait3A_123] : memref<33554432xf32, #tpu.memory_space<hbm>> -> memref<8192xf32, #tpu.memory_space<hbm>>
    tpu.wait_dma2 semaphore(%arg15 : memref<!tpu.dma_semaphore, #tpu.memory_space<semaphore_mem>>) src(%dma_wait3A_124 : memref<8192xf32, #tpu.memory_space<hbm>>) dst(%arg7 : memref<8192xf32, #tpu.memory_space<vmem>>)
    %dma_wait3A_125 = arith.constant 0 : i32
    %dma_wait3A_126 = tpu.memref_slice %arg4[%dma_wait3A_125] : memref<33554432xf32, #tpu.memory_space<hbm>> -> memref<8192xf32, #tpu.memory_space<hbm>>
    %dma_wait3A_127 = arith.constant 0 : i32
    %dma_wait3A_128 = tpu.memref_slice %arg4[%dma_wait3A_127] : memref<33554432xf32, #tpu.memory_space<hbm>> -> memref<8192xf32, #tpu.memory_space<hbm>>
    tpu.wait_dma2 semaphore(%arg19 : memref<!tpu.dma_semaphore, #tpu.memory_space<semaphore_mem>>) src(%arg11 : memref<8192xf32, #tpu.memory_space<vmem>>) dst(%dma_wait3A_128 : memref<8192xf32, #tpu.memory_space<hbm>>)
    %parallel_loop3A_129 = arith.constant 0 : i32
    %parallel_loop3A_130 = arith.constant 64 : i32
    %parallel_loop3A_131 = arith.constant 1 : i32
    scf.for %parallel_loop3A_182 = %parallel_loop3A_129 to %parallel_loop3A_130 step %parallel_loop3A_131  : i32 {
      %parallel_loop3A_183 = arith.constant 128 : i32
      %parallel_loop3A_184 = arith.muli %parallel_loop3A_182, %parallel_loop3A_183 : i32
      %parallel_loop3A_185 = tpu.memref_slice %arg7[%parallel_loop3A_184] : memref<8192xf32, #tpu.memory_space<vmem>> -> memref<128xf32, #tpu.memory_space<vmem>>
      %parallel_loop3A_186 = tpu.vector_load_idx %parallel_loop3A_185[%convert_element_type3A] : memref<128xf32, #tpu.memory_space<vmem>>[vector<16xi32>], vector<16xf32>,
      %parallel_loop3A_187 = tpu.memref_slice %arg7[%parallel_loop3A_184] : memref<8192xf32, #tpu.memory_space<vmem>> -> memref<128xf32, #tpu.memory_space<vmem>>
      %parallel_loop3A_188 = tpu.vector_load_idx %parallel_loop3A_187[%convert_element_type3A_4] : memref<128xf32, #tpu.memory_space<vmem>>[vector<16xi32>], vector<16xf32>,
      %parallel_loop3A_189 = tpu.memref_slice %arg7[%parallel_loop3A_184] : memref<8192xf32, #tpu.memory_space<vmem>> -> memref<128xf32, #tpu.memory_space<vmem>>
      %parallel_loop3A_190 = tpu.vector_load_idx %parallel_loop3A_189[%convert_element_type3A_7] : memref<128xf32, #tpu.memory_space<vmem>>[vector<16xi32>], vector<16xf32>,
      %parallel_loop3A_191 = tpu.memref_slice %arg7[%parallel_loop3A_184] : memref<8192xf32, #tpu.memory_space<vmem>> -> memref<128xf32, #tpu.memory_space<vmem>>
      %parallel_loop3A_192 = tpu.vector_load_idx %parallel_loop3A_191[%convert_element_type3A_10] : memref<128xf32, #tpu.memory_space<vmem>>[vector<16xi32>], vector<16xf32>,
      %parallel_loop3A_193 = tpu.memref_slice %arg7[%parallel_loop3A_184] : memref<8192xf32, #tpu.memory_space<vmem>> -> memref<128xf32, #tpu.memory_space<vmem>>
      %parallel_loop3A_194 = tpu.vector_load_idx %parallel_loop3A_193[%convert_element_type3A_13] : memref<128xf32, #tpu.memory_space<vmem>>[vector<16xi32>], vector<16xf32>,
      %parallel_loop3A_195 = tpu.memref_slice %arg7[%parallel_loop3A_184] : memref<8192xf32, #tpu.memory_space<vmem>> -> memref<128xf32, #tpu.memory_space<vmem>>
      %parallel_loop3A_196 = tpu.vector_load_idx %parallel_loop3A_195[%convert_element_type3A_16] : memref<128xf32, #tpu.memory_space<vmem>>[vector<16xi32>], vector<16xf32>,
      %parallel_loop3A_197 = tpu.memref_slice %arg7[%parallel_loop3A_184] : memref<8192xf32, #tpu.memory_space<vmem>> -> memref<128xf32, #tpu.memory_space<vmem>>
      %parallel_loop3A_198 = tpu.vector_load_idx %parallel_loop3A_197[%convert_element_type3A_19] : memref<128xf32, #tpu.memory_space<vmem>>[vector<16xi32>], vector<16xf32>,
      %parallel_loop3A_199 = tpu.memref_slice %arg7[%parallel_loop3A_184] : memref<8192xf32, #tpu.memory_space<vmem>> -> memref<128xf32, #tpu.memory_space<vmem>>
      %parallel_loop3A_200 = tpu.vector_load_idx %parallel_loop3A_199[%convert_element_type3A_22] : memref<128xf32, #tpu.memory_space<vmem>>[vector<16xi32>], vector<16xf32>,
      %parallel_loop3A_201 = tpu.memref_slice %arg11[%parallel_loop3A_184] : memref<8192xf32, #tpu.memory_space<vmem>> -> memref<128xf32, #tpu.memory_space<vmem>>
      %parallel_loop3A_202 = arith.constant 0 : index
      %parallel_loop3A_203 = tpu.vector_load %parallel_loop3A_201[%parallel_loop3A_202] {strides = array<i32>} : memref<128xf32, #tpu.memory_space<vmem>>, vector<16xf32>,
      tpu.vector_store %parallel_loop3A_201[%parallel_loop3A_202], %parallel_loop3A_186 {strides = array<i32>} : memref<128xf32, #tpu.memory_space<vmem>>, vector<16xf32>,
      %parallel_loop3A_204 = tpu.memref_slice %arg11[%parallel_loop3A_184] : memref<8192xf32, #tpu.memory_space<vmem>> -> memref<128xf32, #tpu.memory_space<vmem>>
      %parallel_loop3A_205 = arith.constant 16 : index
      %parallel_loop3A_206 = tpu.vector_load %parallel_loop3A_204[%parallel_loop3A_205] {strides = array<i32>} : memref<128xf32, #tpu.memory_space<vmem>>, vector<16xf32>,
      tpu.vector_store %parallel_loop3A_204[%parallel_loop3A_205], %parallel_loop3A_188 {strides = array<i32>} : memref<128xf32, #tpu.memory_space<vmem>>, vector<16xf32>,
      %parallel_loop3A_207 = tpu.memref_slice %arg11[%parallel_loop3A_184] : memref<8192xf32, #tpu.memory_space<vmem>> -> memref<128xf32, #tpu.memory_space<vmem>>
      %parallel_loop3A_208 = arith.constant 32 : index
      %parallel_loop3A_209 = tpu.vector_load %parallel_loop3A_207[%parallel_loop3A_208] {strides = array<i32>} : memref<128xf32, #tpu.memory_space<vmem>>, vector<16xf32>,
      tpu.vector_store %parallel_loop3A_207[%parallel_loop3A_208], %parallel_loop3A_190 {strides = array<i32>} : memref<128xf32, #tpu.memory_space<vmem>>, vector<16xf32>,
      %parallel_loop3A_210 = tpu.memref_slice %arg11[%parallel_loop3A_184] : memref<8192xf32, #tpu.memory_space<vmem>> -> memref<128xf32, #tpu.memory_space<vmem>>
      %parallel_loop3A_211 = arith.constant 48 : index
      %parallel_loop3A_212 = tpu.vector_load %parallel_loop3A_210[%parallel_loop3A_211] {strides = array<i32>} : memref<128xf32, #tpu.memory_space<vmem>>, vector<16xf32>,
      tpu.vector_store %parallel_loop3A_210[%parallel_loop3A_211], %parallel_loop3A_192 {strides = array<i32>} : memref<128xf32, #tpu.memory_space<vmem>>, vector<16xf32>,
      %parallel_loop3A_213 = tpu.memref_slice %arg11[%parallel_loop3A_184] : memref<8192xf32, #tpu.memory_space<vmem>> -> memref<128xf32, #tpu.memory_space<vmem>>
      %parallel_loop3A_214 = arith.constant 64 : index
      %parallel_loop3A_215 = tpu.vector_load %parallel_loop3A_213[%parallel_loop3A_214] {strides = array<i32>} : memref<128xf32, #tpu.memory_space<vmem>>, vector<16xf32>,
      tpu.vector_store %parallel_loop3A_213[%parallel_loop3A_214], %parallel_loop3A_194 {strides = array<i32>} : memref<128xf32, #tpu.memory_space<vmem>>, vector<16xf32>,
      %parallel_loop3A_216 = tpu.memref_slice %arg11[%parallel_loop3A_184] : memref<8192xf32, #tpu.memory_space<vmem>> -> memref<128xf32, #tpu.memory_space<vmem>>
      %parallel_loop3A_217 = arith.constant 80 : index
      %parallel_loop3A_218 = tpu.vector_load %parallel_loop3A_216[%parallel_loop3A_217] {strides = array<i32>} : memref<128xf32, #tpu.memory_space<vmem>>, vector<16xf32>,
      tpu.vector_store %parallel_loop3A_216[%parallel_loop3A_217], %parallel_loop3A_196 {strides = array<i32>} : memref<128xf32, #tpu.memory_space<vmem>>, vector<16xf32>,
      %parallel_loop3A_219 = tpu.memref_slice %arg11[%parallel_loop3A_184] : memref<8192xf32, #tpu.memory_space<vmem>> -> memref<128xf32, #tpu.memory_space<vmem>>
      %parallel_loop3A_220 = arith.constant 96 : index
      %parallel_loop3A_221 = tpu.vector_load %parallel_loop3A_219[%parallel_loop3A_220] {strides = array<i32>} : memref<128xf32, #tpu.memory_space<vmem>>, vector<16xf32>,
      tpu.vector_store %parallel_loop3A_219[%parallel_loop3A_220], %parallel_loop3A_198 {strides = array<i32>} : memref<128xf32, #tpu.memory_space<vmem>>, vector<16xf32>,
      %parallel_loop3A_222 = tpu.memref_slice %arg11[%parallel_loop3A_184] : memref<8192xf32, #tpu.memory_space<vmem>> -> memref<128xf32, #tpu.memory_space<vmem>>
      %parallel_loop3A_223 = arith.constant 112 : index
      %parallel_loop3A_224 = tpu.vector_load %parallel_loop3A_222[%parallel_loop3A_223] {strides = array<i32>} : memref<128xf32, #tpu.memory_space<vmem>>, vector<16xf32>,
      tpu.vector_store %parallel_loop3A_222[%parallel_loop3A_223], %parallel_loop3A_200 {strides = array<i32>} : memref<128xf32, #tpu.memory_space<vmem>>, vector<16xf32>,
    } {sc.loop_unroll_factor = 2 : i64, sc.parallel_access}
    %add3A_132 = arith.constant 1024000 : i32
    %add3A_133 = arith.addi %mul3A_26, %add3A_132 : i32
    %dma_start3A_134 = tpu.memref_slice %arg4[%add3A_133] : memref<33554432xf32, #tpu.memory_space<hbm>> -> memref<8192xf32, #tpu.memory_space<hbm>>
    %dma_start3A_135 = tpu.memref_slice %arg4[%add3A_133] : memref<33554432xf32, #tpu.memory_space<hbm>> -> memref<8192xf32, #tpu.memory_space<hbm>>
    tpu.enqueue_dma source(%arg11 : memref<8192xf32, #tpu.memory_space<vmem>>) target(%dma_start3A_135 : memref<8192xf32, #tpu.memory_space<hbm>>) target_semaphore(%arg19 : memref<!tpu.dma_semaphore, #tpu.memory_space<semaphore_mem>>)
    %dma_wait3A_136 = arith.constant 0 : i32
    %dma_wait3A_137 = tpu.memref_slice %arg2[%dma_wait3A_136] : memref<33554432xf32, #tpu.memory_space<hbm>> -> memref<8192xf32, #tpu.memory_space<hbm>>
    %dma_wait3A_138 = arith.constant 0 : i32
    %dma_wait3A_139 = tpu.memref_slice %arg2[%dma_wait3A_138] : memref<33554432xf32, #tpu.memory_space<hbm>> -> memref<8192xf32, #tpu.memory_space<hbm>>
    tpu.wait_dma2 semaphore(%arg16 : memref<!tpu.dma_semaphore, #tpu.memory_space<semaphore_mem>>) src(%dma_wait3A_139 : memref<8192xf32, #tpu.memory_space<hbm>>) dst(%arg8 : memref<8192xf32, #tpu.memory_space<vmem>>)
    %dma_wait3A_140 = arith.constant 0 : i32
    %dma_wait3A_141 = tpu.memref_slice %arg4[%dma_wait3A_140] : memref<33554432xf32, #tpu.memory_space<hbm>> -> memref<8192xf32, #tpu.memory_space<hbm>>
    %dma_wait3A_142 = arith.constant 0 : i32
    %dma_wait3A_143 = tpu.memref_slice %arg4[%dma_wait3A_142] : memref<33554432xf32, #tpu.memory_space<hbm>> -> memref<8192xf32, #tpu.memory_space<hbm>>
    tpu.wait_dma2 semaphore(%arg20 : memref<!tpu.dma_semaphore, #tpu.memory_space<semaphore_mem>>) src(%arg12 : memref<8192xf32, #tpu.memory_space<vmem>>) dst(%dma_wait3A_143 : memref<8192xf32, #tpu.memory_space<hbm>>)
    %parallel_loop3A_144 = arith.constant 0 : i32
    %parallel_loop3A_145 = arith.constant 64 : i32
    %parallel_loop3A_146 = arith.constant 1 : i32
    scf.for %parallel_loop3A_182 = %parallel_loop3A_144 to %parallel_loop3A_145 step %parallel_loop3A_146  : i32 {
      %parallel_loop3A_183 = arith.constant 128 : i32
      %parallel_loop3A_184 = arith.muli %parallel_loop3A_182, %parallel_loop3A_183 : i32
      %parallel_loop3A_185 = tpu.memref_slice %arg8[%parallel_loop3A_184] : memref<8192xf32, #tpu.memory_space<vmem>> -> memref<128xf32, #tpu.memory_space<vmem>>
      %parallel_loop3A_186 = tpu.vector_load_idx %parallel_loop3A_185[%convert_element_type3A] : memref<128xf32, #tpu.memory_space<vmem>>[vector<16xi32>], vector<16xf32>,
      %parallel_loop3A_187 = tpu.memref_slice %arg8[%parallel_loop3A_184] : memref<8192xf32, #tpu.memory_space<vmem>> -> memref<128xf32, #tpu.memory_space<vmem>>
      %parallel_loop3A_188 = tpu.vector_load_idx %parallel_loop3A_187[%convert_element_type3A_4] : memref<128xf32, #tpu.memory_space<vmem>>[vector<16xi32>], vector<16xf32>,
      %parallel_loop3A_189 = tpu.memref_slice %arg8[%parallel_loop3A_184] : memref<8192xf32, #tpu.memory_space<vmem>> -> memref<128xf32, #tpu.memory_space<vmem>>
      %parallel_loop3A_190 = tpu.vector_load_idx %parallel_loop3A_189[%convert_element_type3A_7] : memref<128xf32, #tpu.memory_space<vmem>>[vector<16xi32>], vector<16xf32>,
      %parallel_loop3A_191 = tpu.memref_slice %arg8[%parallel_loop3A_184] : memref<8192xf32, #tpu.memory_space<vmem>> -> memref<128xf32, #tpu.memory_space<vmem>>
      %parallel_loop3A_192 = tpu.vector_load_idx %parallel_loop3A_191[%convert_element_type3A_10] : memref<128xf32, #tpu.memory_space<vmem>>[vector<16xi32>], vector<16xf32>,
      %parallel_loop3A_193 = tpu.memref_slice %arg8[%parallel_loop3A_184] : memref<8192xf32, #tpu.memory_space<vmem>> -> memref<128xf32, #tpu.memory_space<vmem>>
      %parallel_loop3A_194 = tpu.vector_load_idx %parallel_loop3A_193[%convert_element_type3A_13] : memref<128xf32, #tpu.memory_space<vmem>>[vector<16xi32>], vector<16xf32>,
      %parallel_loop3A_195 = tpu.memref_slice %arg8[%parallel_loop3A_184] : memref<8192xf32, #tpu.memory_space<vmem>> -> memref<128xf32, #tpu.memory_space<vmem>>
      %parallel_loop3A_196 = tpu.vector_load_idx %parallel_loop3A_195[%convert_element_type3A_16] : memref<128xf32, #tpu.memory_space<vmem>>[vector<16xi32>], vector<16xf32>,
      %parallel_loop3A_197 = tpu.memref_slice %arg8[%parallel_loop3A_184] : memref<8192xf32, #tpu.memory_space<vmem>> -> memref<128xf32, #tpu.memory_space<vmem>>
      %parallel_loop3A_198 = tpu.vector_load_idx %parallel_loop3A_197[%convert_element_type3A_19] : memref<128xf32, #tpu.memory_space<vmem>>[vector<16xi32>], vector<16xf32>,
      %parallel_loop3A_199 = tpu.memref_slice %arg8[%parallel_loop3A_184] : memref<8192xf32, #tpu.memory_space<vmem>> -> memref<128xf32, #tpu.memory_space<vmem>>
      %parallel_loop3A_200 = tpu.vector_load_idx %parallel_loop3A_199[%convert_element_type3A_22] : memref<128xf32, #tpu.memory_space<vmem>>[vector<16xi32>], vector<16xf32>,
      %parallel_loop3A_201 = tpu.memref_slice %arg12[%parallel_loop3A_184] : memref<8192xf32, #tpu.memory_space<vmem>> -> memref<128xf32, #tpu.memory_space<vmem>>
      %parallel_loop3A_202 = arith.constant 0 : index
      %parallel_loop3A_203 = tpu.vector_load %parallel_loop3A_201[%parallel_loop3A_202] {strides = array<i32>} : memref<128xf32, #tpu.memory_space<vmem>>, vector<16xf32>,
      tpu.vector_store %parallel_loop3A_201[%parallel_loop3A_202], %parallel_loop3A_186 {strides = array<i32>} : memref<128xf32, #tpu.memory_space<vmem>>, vector<16xf32>,
      %parallel_loop3A_204 = tpu.memref_slice %arg12[%parallel_loop3A_184] : memref<8192xf32, #tpu.memory_space<vmem>> -> memref<128xf32, #tpu.memory_space<vmem>>
      %parallel_loop3A_205 = arith.constant 16 : index
      %parallel_loop3A_206 = tpu.vector_load %parallel_loop3A_204[%parallel_loop3A_205] {strides = array<i32>} : memref<128xf32, #tpu.memory_space<vmem>>, vector<16xf32>,
      tpu.vector_store %parallel_loop3A_204[%parallel_loop3A_205], %parallel_loop3A_188 {strides = array<i32>} : memref<128xf32, #tpu.memory_space<vmem>>, vector<16xf32>,
      %parallel_loop3A_207 = tpu.memref_slice %arg12[%parallel_loop3A_184] : memref<8192xf32, #tpu.memory_space<vmem>> -> memref<128xf32, #tpu.memory_space<vmem>>
      %parallel_loop3A_208 = arith.constant 32 : index
      %parallel_loop3A_209 = tpu.vector_load %parallel_loop3A_207[%parallel_loop3A_208] {strides = array<i32>} : memref<128xf32, #tpu.memory_space<vmem>>, vector<16xf32>,
      tpu.vector_store %parallel_loop3A_207[%parallel_loop3A_208], %parallel_loop3A_190 {strides = array<i32>} : memref<128xf32, #tpu.memory_space<vmem>>, vector<16xf32>,
      %parallel_loop3A_210 = tpu.memref_slice %arg12[%parallel_loop3A_184] : memref<8192xf32, #tpu.memory_space<vmem>> -> memref<128xf32, #tpu.memory_space<vmem>>
      %parallel_loop3A_211 = arith.constant 48 : index
      %parallel_loop3A_212 = tpu.vector_load %parallel_loop3A_210[%parallel_loop3A_211] {strides = array<i32>} : memref<128xf32, #tpu.memory_space<vmem>>, vector<16xf32>,
      tpu.vector_store %parallel_loop3A_210[%parallel_loop3A_211], %parallel_loop3A_192 {strides = array<i32>} : memref<128xf32, #tpu.memory_space<vmem>>, vector<16xf32>,
      %parallel_loop3A_213 = tpu.memref_slice %arg12[%parallel_loop3A_184] : memref<8192xf32, #tpu.memory_space<vmem>> -> memref<128xf32, #tpu.memory_space<vmem>>
      %parallel_loop3A_214 = arith.constant 64 : index
      %parallel_loop3A_215 = tpu.vector_load %parallel_loop3A_213[%parallel_loop3A_214] {strides = array<i32>} : memref<128xf32, #tpu.memory_space<vmem>>, vector<16xf32>,
      tpu.vector_store %parallel_loop3A_213[%parallel_loop3A_214], %parallel_loop3A_194 {strides = array<i32>} : memref<128xf32, #tpu.memory_space<vmem>>, vector<16xf32>,
      %parallel_loop3A_216 = tpu.memref_slice %arg12[%parallel_loop3A_184] : memref<8192xf32, #tpu.memory_space<vmem>> -> memref<128xf32, #tpu.memory_space<vmem>>
      %parallel_loop3A_217 = arith.constant 80 : index
      %parallel_loop3A_218 = tpu.vector_load %parallel_loop3A_216[%parallel_loop3A_217] {strides = array<i32>} : memref<128xf32, #tpu.memory_space<vmem>>, vector<16xf32>,
      tpu.vector_store %parallel_loop3A_216[%parallel_loop3A_217], %parallel_loop3A_196 {strides = array<i32>} : memref<128xf32, #tpu.memory_space<vmem>>, vector<16xf32>,
      %parallel_loop3A_219 = tpu.memref_slice %arg12[%parallel_loop3A_184] : memref<8192xf32, #tpu.memory_space<vmem>> -> memref<128xf32, #tpu.memory_space<vmem>>
      %parallel_loop3A_220 = arith.constant 96 : index
      %parallel_loop3A_221 = tpu.vector_load %parallel_loop3A_219[%parallel_loop3A_220] {strides = array<i32>} : memref<128xf32, #tpu.memory_space<vmem>>, vector<16xf32>,
      tpu.vector_store %parallel_loop3A_219[%parallel_loop3A_220], %parallel_loop3A_198 {strides = array<i32>} : memref<128xf32, #tpu.memory_space<vmem>>, vector<16xf32>,
      %parallel_loop3A_222 = tpu.memref_slice %arg12[%parallel_loop3A_184] : memref<8192xf32, #tpu.memory_space<vmem>> -> memref<128xf32, #tpu.memory_space<vmem>>
      %parallel_loop3A_223 = arith.constant 112 : index
      %parallel_loop3A_224 = tpu.vector_load %parallel_loop3A_222[%parallel_loop3A_223] {strides = array<i32>} : memref<128xf32, #tpu.memory_space<vmem>>, vector<16xf32>,
      tpu.vector_store %parallel_loop3A_222[%parallel_loop3A_223], %parallel_loop3A_200 {strides = array<i32>} : memref<128xf32, #tpu.memory_space<vmem>>, vector<16xf32>,
    } {sc.loop_unroll_factor = 2 : i64, sc.parallel_access}
    %add3A_147 = arith.constant 1032192 : i32
    %add3A_148 = arith.addi %mul3A_26, %add3A_147 : i32
    %dma_start3A_149 = tpu.memref_slice %arg4[%add3A_148] : memref<33554432xf32, #tpu.memory_space<hbm>> -> memref<8192xf32, #tpu.memory_space<hbm>>
    %dma_start3A_150 = tpu.memref_slice %arg4[%add3A_148] : memref<33554432xf32, #tpu.memory_space<hbm>> -> memref<8192xf32, #tpu.memory_space<hbm>>
    tpu.enqueue_dma source(%arg12 : memref<8192xf32, #tpu.memory_space<vmem>>) target(%dma_start3A_150 : memref<8192xf32, #tpu.memory_space<hbm>>) target_semaphore(%arg20 : memref<!tpu.dma_semaphore, #tpu.memory_space<semaphore_mem>>)
    %dma_wait3A_151 = arith.constant 0 : i32
    %dma_wait3A_152 = tpu.memref_slice %arg2[%dma_wait3A_151] : memref<33554432xf32, #tpu.memory_space<hbm>> -> memref<8192xf32, #tpu.memory_space<hbm>>
    %dma_wait3A_153 = arith.constant 0 : i32
    %dma_wait3A_154 = tpu.memref_slice %arg2[%dma_wait3A_153] : memref<33554432xf32, #tpu.memory_space<hbm>> -> memref<8192xf32, #tpu.memory_space<hbm>>
    tpu.wait_dma2 semaphore(%arg17 : memref<!tpu.dma_semaphore, #tpu.memory_space<semaphore_mem>>) src(%dma_wait3A_154 : memref<8192xf32, #tpu.memory_space<hbm>>) dst(%arg9 : memref<8192xf32, #tpu.memory_space<vmem>>)
    %dma_wait3A_155 = arith.constant 0 : i32
    %dma_wait3A_156 = tpu.memref_slice %arg4[%dma_wait3A_155] : memref<33554432xf32, #tpu.memory_space<hbm>> -> memref<8192xf32, #tpu.memory_space<hbm>>
    %dma_wait3A_157 = arith.constant 0 : i32
    %dma_wait3A_158 = tpu.memref_slice %arg4[%dma_wait3A_157] : memref<33554432xf32, #tpu.memory_space<hbm>> -> memref<8192xf32, #tpu.memory_space<hbm>>
    tpu.wait_dma2 semaphore(%arg21 : memref<!tpu.dma_semaphore, #tpu.memory_space<semaphore_mem>>) src(%arg13 : memref<8192xf32, #tpu.memory_space<vmem>>) dst(%dma_wait3A_158 : memref<8192xf32, #tpu.memory_space<hbm>>)
    %parallel_loop3A_159 = arith.constant 0 : i32
    %parallel_loop3A_160 = arith.constant 64 : i32
    %parallel_loop3A_161 = arith.constant 1 : i32
    scf.for %parallel_loop3A_182 = %parallel_loop3A_159 to %parallel_loop3A_160 step %parallel_loop3A_161  : i32 {
      %parallel_loop3A_183 = arith.constant 128 : i32
      %parallel_loop3A_184 = arith.muli %parallel_loop3A_182, %parallel_loop3A_183 : i32
      %parallel_loop3A_185 = tpu.memref_slice %arg9[%parallel_loop3A_184] : memref<8192xf32, #tpu.memory_space<vmem>> -> memref<128xf32, #tpu.memory_space<vmem>>
      %parallel_loop3A_186 = tpu.vector_load_idx %parallel_loop3A_185[%convert_element_type3A] : memref<128xf32, #tpu.memory_space<vmem>>[vector<16xi32>], vector<16xf32>,
      %parallel_loop3A_187 = tpu.memref_slice %arg9[%parallel_loop3A_184] : memref<8192xf32, #tpu.memory_space<vmem>> -> memref<128xf32, #tpu.memory_space<vmem>>
      %parallel_loop3A_188 = tpu.vector_load_idx %parallel_loop3A_187[%convert_element_type3A_4] : memref<128xf32, #tpu.memory_space<vmem>>[vector<16xi32>], vector<16xf32>,
      %parallel_loop3A_189 = tpu.memref_slice %arg9[%parallel_loop3A_184] : memref<8192xf32, #tpu.memory_space<vmem>> -> memref<128xf32, #tpu.memory_space<vmem>>
      %parallel_loop3A_190 = tpu.vector_load_idx %parallel_loop3A_189[%convert_element_type3A_7] : memref<128xf32, #tpu.memory_space<vmem>>[vector<16xi32>], vector<16xf32>,
      %parallel_loop3A_191 = tpu.memref_slice %arg9[%parallel_loop3A_184] : memref<8192xf32, #tpu.memory_space<vmem>> -> memref<128xf32, #tpu.memory_space<vmem>>
      %parallel_loop3A_192 = tpu.vector_load_idx %parallel_loop3A_191[%convert_element_type3A_10] : memref<128xf32, #tpu.memory_space<vmem>>[vector<16xi32>], vector<16xf32>,
      %parallel_loop3A_193 = tpu.memref_slice %arg9[%parallel_loop3A_184] : memref<8192xf32, #tpu.memory_space<vmem>> -> memref<128xf32, #tpu.memory_space<vmem>>
      %parallel_loop3A_194 = tpu.vector_load_idx %parallel_loop3A_193[%convert_element_type3A_13] : memref<128xf32, #tpu.memory_space<vmem>>[vector<16xi32>], vector<16xf32>,
      %parallel_loop3A_195 = tpu.memref_slice %arg9[%parallel_loop3A_184] : memref<8192xf32, #tpu.memory_space<vmem>> -> memref<128xf32, #tpu.memory_space<vmem>>
      %parallel_loop3A_196 = tpu.vector_load_idx %parallel_loop3A_195[%convert_element_type3A_16] : memref<128xf32, #tpu.memory_space<vmem>>[vector<16xi32>], vector<16xf32>,
      %parallel_loop3A_197 = tpu.memref_slice %arg9[%parallel_loop3A_184] : memref<8192xf32, #tpu.memory_space<vmem>> -> memref<128xf32, #tpu.memory_space<vmem>>
      %parallel_loop3A_198 = tpu.vector_load_idx %parallel_loop3A_197[%convert_element_type3A_19] : memref<128xf32, #tpu.memory_space<vmem>>[vector<16xi32>], vector<16xf32>,
      %parallel_loop3A_199 = tpu.memref_slice %arg9[%parallel_loop3A_184] : memref<8192xf32, #tpu.memory_space<vmem>> -> memref<128xf32, #tpu.memory_space<vmem>>
      %parallel_loop3A_200 = tpu.vector_load_idx %parallel_loop3A_199[%convert_element_type3A_22] : memref<128xf32, #tpu.memory_space<vmem>>[vector<16xi32>], vector<16xf32>,
      %parallel_loop3A_201 = tpu.memref_slice %arg13[%parallel_loop3A_184] : memref<8192xf32, #tpu.memory_space<vmem>> -> memref<128xf32, #tpu.memory_space<vmem>>
      %parallel_loop3A_202 = arith.constant 0 : index
      %parallel_loop3A_203 = tpu.vector_load %parallel_loop3A_201[%parallel_loop3A_202] {strides = array<i32>} : memref<128xf32, #tpu.memory_space<vmem>>, vector<16xf32>,
      tpu.vector_store %parallel_loop3A_201[%parallel_loop3A_202], %parallel_loop3A_186 {strides = array<i32>} : memref<128xf32, #tpu.memory_space<vmem>>, vector<16xf32>,
      %parallel_loop3A_204 = tpu.memref_slice %arg13[%parallel_loop3A_184] : memref<8192xf32, #tpu.memory_space<vmem>> -> memref<128xf32, #tpu.memory_space<vmem>>
      %parallel_loop3A_205 = arith.constant 16 : index
      %parallel_loop3A_206 = tpu.vector_load %parallel_loop3A_204[%parallel_loop3A_205] {strides = array<i32>} : memref<128xf32, #tpu.memory_space<vmem>>, vector<16xf32>,
      tpu.vector_store %parallel_loop3A_204[%parallel_loop3A_205], %parallel_loop3A_188 {strides = array<i32>} : memref<128xf32, #tpu.memory_space<vmem>>, vector<16xf32>,
      %parallel_loop3A_207 = tpu.memref_slice %arg13[%parallel_loop3A_184] : memref<8192xf32, #tpu.memory_space<vmem>> -> memref<128xf32, #tpu.memory_space<vmem>>
      %parallel_loop3A_208 = arith.constant 32 : index
      %parallel_loop3A_209 = tpu.vector_load %parallel_loop3A_207[%parallel_loop3A_208] {strides = array<i32>} : memref<128xf32, #tpu.memory_space<vmem>>, vector<16xf32>,
      tpu.vector_store %parallel_loop3A_207[%parallel_loop3A_208], %parallel_loop3A_190 {strides = array<i32>} : memref<128xf32, #tpu.memory_space<vmem>>, vector<16xf32>,
      %parallel_loop3A_210 = tpu.memref_slice %arg13[%parallel_loop3A_184] : memref<8192xf32, #tpu.memory_space<vmem>> -> memref<128xf32, #tpu.memory_space<vmem>>
      %parallel_loop3A_211 = arith.constant 48 : index
      %parallel_loop3A_212 = tpu.vector_load %parallel_loop3A_210[%parallel_loop3A_211] {strides = array<i32>} : memref<128xf32, #tpu.memory_space<vmem>>, vector<16xf32>,
      tpu.vector_store %parallel_loop3A_210[%parallel_loop3A_211], %parallel_loop3A_192 {strides = array<i32>} : memref<128xf32, #tpu.memory_space<vmem>>, vector<16xf32>,
      %parallel_loop3A_213 = tpu.memref_slice %arg13[%parallel_loop3A_184] : memref<8192xf32, #tpu.memory_space<vmem>> -> memref<128xf32, #tpu.memory_space<vmem>>
      %parallel_loop3A_214 = arith.constant 64 : index
      %parallel_loop3A_215 = tpu.vector_load %parallel_loop3A_213[%parallel_loop3A_214] {strides = array<i32>} : memref<128xf32, #tpu.memory_space<vmem>>, vector<16xf32>,
      tpu.vector_store %parallel_loop3A_213[%parallel_loop3A_214], %parallel_loop3A_194 {strides = array<i32>} : memref<128xf32, #tpu.memory_space<vmem>>, vector<16xf32>,
      %parallel_loop3A_216 = tpu.memref_slice %arg13[%parallel_loop3A_184] : memref<8192xf32, #tpu.memory_space<vmem>> -> memref<128xf32, #tpu.memory_space<vmem>>
      %parallel_loop3A_217 = arith.constant 80 : index
      %parallel_loop3A_218 = tpu.vector_load %parallel_loop3A_216[%parallel_loop3A_217] {strides = array<i32>} : memref<128xf32, #tpu.memory_space<vmem>>, vector<16xf32>,
      tpu.vector_store %parallel_loop3A_216[%parallel_loop3A_217], %parallel_loop3A_196 {strides = array<i32>} : memref<128xf32, #tpu.memory_space<vmem>>, vector<16xf32>,
      %parallel_loop3A_219 = tpu.memref_slice %arg13[%parallel_loop3A_184] : memref<8192xf32, #tpu.memory_space<vmem>> -> memref<128xf32, #tpu.memory_space<vmem>>
      %parallel_loop3A_220 = arith.constant 96 : index
      %parallel_loop3A_221 = tpu.vector_load %parallel_loop3A_219[%parallel_loop3A_220] {strides = array<i32>} : memref<128xf32, #tpu.memory_space<vmem>>, vector<16xf32>,
      tpu.vector_store %parallel_loop3A_219[%parallel_loop3A_220], %parallel_loop3A_198 {strides = array<i32>} : memref<128xf32, #tpu.memory_space<vmem>>, vector<16xf32>,
      %parallel_loop3A_222 = tpu.memref_slice %arg13[%parallel_loop3A_184] : memref<8192xf32, #tpu.memory_space<vmem>> -> memref<128xf32, #tpu.memory_space<vmem>>
      %parallel_loop3A_223 = arith.constant 112 : index
      %parallel_loop3A_224 = tpu.vector_load %parallel_loop3A_222[%parallel_loop3A_223] {strides = array<i32>} : memref<128xf32, #tpu.memory_space<vmem>>, vector<16xf32>,
      tpu.vector_store %parallel_loop3A_222[%parallel_loop3A_223], %parallel_loop3A_200 {strides = array<i32>} : memref<128xf32, #tpu.memory_space<vmem>>, vector<16xf32>,
    } {sc.loop_unroll_factor = 2 : i64, sc.parallel_access}
    %add3A_162 = arith.constant 1040384 : i32
    %add3A_163 = arith.addi %mul3A_26, %add3A_162 : i32
    %dma_start3A_164 = tpu.memref_slice %arg4[%add3A_163] : memref<33554432xf32, #tpu.memory_space<hbm>> -> memref<8192xf32, #tpu.memory_space<hbm>>
    %dma_start3A_165 = tpu.memref_slice %arg4[%add3A_163] : memref<33554432xf32, #tpu.memory_space<hbm>> -> memref<8192xf32, #tpu.memory_space<hbm>>
    tpu.enqueue_dma source(%arg13 : memref<8192xf32, #tpu.memory_space<vmem>>) target(%dma_start3A_165 : memref<8192xf32, #tpu.memory_space<hbm>>) target_semaphore(%arg21 : memref<!tpu.dma_semaphore, #tpu.memory_space<semaphore_mem>>)
    %dma_wait3A_166 = arith.constant 0 : i32
    %dma_wait3A_167 = tpu.memref_slice %arg4[%dma_wait3A_166] : memref<33554432xf32, #tpu.memory_space<hbm>> -> memref<8192xf32, #tpu.memory_space<hbm>>
    %dma_wait3A_168 = arith.constant 0 : i32
    %dma_wait3A_169 = tpu.memref_slice %arg4[%dma_wait3A_168] : memref<33554432xf32, #tpu.memory_space<hbm>> -> memref<8192xf32, #tpu.memory_space<hbm>>
    tpu.wait_dma2 semaphore(%arg18 : memref<!tpu.dma_semaphore, #tpu.memory_space<semaphore_mem>>) src(%arg10 : memref<8192xf32, #tpu.memory_space<vmem>>) dst(%dma_wait3A_169 : memref<8192xf32, #tpu.memory_space<hbm>>)
    %dma_wait3A_170 = arith.constant 0 : i32
    %dma_wait3A_171 = tpu.memref_slice %arg4[%dma_wait3A_170] : memref<33554432xf32, #tpu.memory_space<hbm>> -> memref<8192xf32, #tpu.memory_space<hbm>>
    %dma_wait3A_172 = arith.constant 0 : i32
    %dma_wait3A_173 = tpu.memref_slice %arg4[%dma_wait3A_172] : memref<33554432xf32, #tpu.memory_space<hbm>> -> memref<8192xf32, #tpu.memory_space<hbm>>
    tpu.wait_dma2 semaphore(%arg19 : memref<!tpu.dma_semaphore, #tpu.memory_space<semaphore_mem>>) src(%arg11 : memref<8192xf32, #tpu.memory_space<vmem>>) dst(%dma_wait3A_173 : memref<8192xf32, #tpu.memory_space<hbm>>)
    %dma_wait3A_174 = arith.constant 0 : i32
    %dma_wait3A_175 = tpu.memref_slice %arg4[%dma_wait3A_174] : memref<33554432xf32, #tpu.memory_space<hbm>> -> memref<8192xf32, #tpu.memory_space<hbm>>
    %dma_wait3A_176 = arith.constant 0 : i32
    %dma_wait3A_177 = tpu.memref_slice %arg4[%dma_wait3A_176] : memref<33554432xf32, #tpu.memory_space<hbm>> -> memref<8192xf32, #tpu.memory_space<hbm>>
    tpu.wait_dma2 semaphore(%arg20 : memref<!tpu.dma_semaphore, #tpu.memory_space<semaphore_mem>>) src(%arg12 : memref<8192xf32, #tpu.memory_space<vmem>>) dst(%dma_wait3A_177 : memref<8192xf32, #tpu.memory_space<hbm>>)
    %dma_wait3A_178 = arith.constant 0 : i32
    %dma_wait3A_179 = tpu.memref_slice %arg4[%dma_wait3A_178] : memref<33554432xf32, #tpu.memory_space<hbm>> -> memref<8192xf32, #tpu.memory_space<hbm>>
    %dma_wait3A_180 = arith.constant 0 : i32
    %dma_wait3A_181 = tpu.memref_slice %arg4[%dma_wait3A_180] : memref<33554432xf32, #tpu.memory_space<hbm>> -> memref<8192xf32, #tpu.memory_space<hbm>>
    tpu.wait_dma2 semaphore(%arg21 : memref<!tpu.dma_semaphore, #tpu.memory_space<semaphore_mem>>) src(%arg13 : memref<8192xf32, #tpu.memory_space<vmem>>) dst(%dma_wait3A_181 : memref<8192xf32, #tpu.memory_space<hbm>>)
    return
  }
}

</mosaic_0001>

<sc_bundles>
// kernel: _sc_permute.3.cloned.1.call-start
scs
__scs_entry_jumppad:
0x0: {  	(pc) =	sbr.rel $0x88, $3  }
0x1: {  	(tag) =	ssettag $0x0;
	lr =	simm.s32 $0x1  }
0x2: {  	[smem:$0x3F9F] =	sst lr;
	_ =	strace $0xD0000000  }
0x3: {  	_ = 	snop  }
0x4: {  	_ = 	snop  }
0x5: {  	_ = 	snop  }
0x6: {  	_ = 	snop  }
0x7: {  	_ = 	snop  }
__scs_overlays_trampoline_lowered:
0x8: {  	[smem:$0x3FAE] =	sst s0  }
0x9: {  	[smem:$0x3FAF] =	sst s1  }
0xa: {  	[smem:$0x3FB0] =	sst s2  }
0xb: {  	[smem:$0x3FB1] =	sst s3  }
0xc: {  	[smem:$0x3FB2] =	sst s4  }
0xd: {  	[smem:$0x3FB3] =	sst s5  }
0xe: {  	[smem:$0x3FB4] =	sst s6  }
0xf: {  	[smem:$0x3FB5] =	sst s7  }
0x10: {  	[smem:$0x3FB6] =	sst s8  }
0x11: {  	[smem:$0x3FB7] =	sst s9;
	s0 =	simm.s32 @!p0 $0x0  }
0x12: {  	s1 =	sld [smem:$0x3F9D];
	s0 =	simm.s32 @p0 $0x1  }
0x13: {  	[smem:$0x3FB8] =	sst s0;
	s0 =	simm.s32 @!p1 $0x0  }
0x14: {  	s2 =	sld [smem:$0x3F9C];
	s0 =	simm.s32 @p1 $0x1  }
0x15: {  	[smem:$0x3FB9] =	sst s0;
	s0 =	simm.s32 @!p2 $0x0  }
0x16: {  	s3 =	sld [smem:$0x3FDB];
	s0 =	simm.s32 @p2 $0x1  }
0x17: {  	s4 =	simm.s32 $0x1BF5;
	[smem:$0x3FBB] =	sst s0  }
0x18: {  	s0 =	sld [smem:$0x3F9E];
	_ =	swait.ge [sflag:s4], $0x0  }
0x19: {  	s7 =	sld [smem:$0x3F9F]  }
0x1a: {  	s8 =	sadd.s32 $0xFFFFE003, lr  }
0x1b: {  	s9 =	sadd.s32 $0xFFFFFEF7, lr;
	s5 =	simm.s32 $0xFFFFFFFF;
	p2 =	slt.u32 s8, $0xFFFFF086  }
0x1c: {  	p1 =	slt.u32 s9, $0xF7A;
	s5 =	simm.s32 @!p2 $0x0  }
0x1d: {  	s5 =	simm.s32 @p1 $0x1;
	p0 =	seq.s32 s7, s2  }
0x1e: {  	s7 =	smul.u32 @!p0 $0xF7A, s2;
	p2 =	seq.s32 @!p0 s5, $0x0  }
0x1f: {  	s9 =	smul.u32 $0xF7A, s1;
	s8 =	simm.s32 @!p0 $0x1BF5;
	p2 =	por !p2, p0  }
0x20: {  	[sflag:s8] =	ssyncset.s32 @!p0 $0xFFFFF086;
	s6 =	sadd.s32 @!p0 s3, s7;
	s7 =	simm.s32 @!p0 $0x108  }
0x21: {  	s3 =	sadd.s32 s3, s9;
	s6 =	sadd.s32 @!p0 $0x88, s6;
	s7 =	simm.s32 @p2 $0x1082  }
0x22: {  	[simem:s7], [sflag:s8] =	dma.local @!p0 [hbm:s6], $0xF7A  }
0x23: {  	s9 =	sor.u32 $0xD0000000, s2;
	s6 =	simm.s32 $0x108;
	_ =	swait.ge @!p0 [sflag:s8], $0x0  }
0x24: {  	s3 =	sadd.s32 $0x88, s3;
	s6 =	simm.s32 @!p1 $0x1082;
	[sflag:s4] =	ssyncset.s32 $0xFFFFF086  }
0x25: {  	[simem:s6], [sflag:s4] =	dma.local [hbm:s3], $0xF7A  }
0x26: {  	[smem:$0x3F9F] =	sst s1;
	(tag) =	ssettag s2;
	_ =	strace s9  }
0x27: {  	s1 =	sld [smem:$0x3FAF]  }
0x28: {  	s2 =	sld [smem:$0x3FB0]  }
0x29: {  	s4 =	sld [smem:$0x3FB2]  }
0x2a: {  	p0 =	seq.s32 s5, $0x0;
	s5 =	sld [smem:$0x3FB3]  }
0x2b: {  	s6 =	sld [smem:$0x3FB4]  }
0x2c: {  	s7 =	sld [smem:$0x3FB5]  }
0x2d: {  	s3 =	simm.s32 $0x108;
	s8 =	sld [smem:$0x3FB6]  }
0x2e: {  	s3 =	simm.s32 @!p0 $0x1082;
	s9 =	sld [smem:$0x3FB7]  }
0x2f: {  	lr =	sadd.s32 s0, s3;
	s0 =	sld [smem:$0x3FAE]  }
0x30: {  	s3 =	sld [smem:$0x3FB1]  }
0x31: {  	[smem:$0x3FBA] =	sst s10  }
0x32: {  	s10 =	sld [smem:$0x3FB8];
	_ =	sdelay $0x3  }
0x33: {  	p0 =	seq.s32 s10, $0x1;
	s10 =	sld [smem:$0x3FBA];
	_ =	sdelay $0x3  }
0x34: {  	[smem:$0x3FBA] =	sst s10  }
0x35: {  	s10 =	sld [smem:$0x3FB9];
	_ =	sdelay $0x3  }
0x36: {  	p1 =	seq.s32 s10, $0x1;
	s10 =	sld [smem:$0x3FBA];
	_ =	sdelay $0x3  }
0x37: {  	[smem:$0x3FBA] =	sst s10  }
0x38: {  	s10 =	sld [smem:$0x3FBB]  }
0x39: {  	_ = 	snop;
	(pc) =	sbr.ind lr, $3  }
0x3a: {  	_ = 	snop  }
0x3b: {  	_ = 	snop  }
0x3c: {  	p2 =	seq.s32 s10, $0x1;
	s10 =	sld [smem:$0x3FBA]  }
0x3d: {  	_ =	shalt  }
0x3e: {  	_ =	shalt  }
0x3f: {  	_ =	shalt  }
0x40: {  	_ =	shalt  }
0x41: {  	_ =	shalt  }
0x42: {  	_ =	shalt  }
0x43: {  	_ =	shalt  }
0x44: {  	_ =	shalt  }
0x45: {  	_ =	shalt  }
0x46: {  	_ =	shalt  }
0x47: {  	_ =	shalt  }
0x48: {  	_ =	shalt  }
0x49: {  	_ =	shalt  }
0x4a: {  	_ =	shalt  }
0x4b: {  	_ =	shalt  }
0x4c: {  	_ =	shalt  }
0x4d: {  	_ =	shalt  }
0x4e: {  	_ =	shalt  }
0x4f: {  	_ =	shalt  }
0x50: {  	_ =	shalt  }
0x51: {  	_ =	shalt  }
0x52: {  	_ =	shalt  }
0x53: {  	_ =	shalt  }
0x54: {  	_ =	shalt  }
0x55: {  	_ =	shalt  }
0x56: {  	_ =	shalt  }
0x57: {  	_ =	shalt  }
0x58: {  	_ =	shalt  }
0x59: {  	_ =	shalt  }
0x5a: {  	_ =	shalt  }
0x5b: {  	_ =	shalt  }
0x5c: {  	_ =	shalt  }
0x5d: {  	_ =	shalt  }
0x5e: {  	_ =	shalt  }
0x5f: {  	_ =	shalt  }
0x60: {  	_ =	shalt  }
0x61: {  	_ =	shalt  }
0x62: {  	_ =	shalt  }
0x63: {  	_ =	shalt  }
0x64: {  	_ =	shalt  }
0x65: {  	_ =	shalt  }
0x66: {  	_ =	shalt  }
0x67: {  	_ =	shalt  }
0x68: {  	_ =	shalt  }
0x69: {  	_ =	shalt  }
0x6a: {  	_ =	shalt  }
0x6b: {  	_ =	shalt  }
0x6c: {  	_ =	shalt  }
0x6d: {  	_ =	shalt  }
0x6e: {  	_ =	shalt  }
0x6f: {  	_ =	shalt  }
0x70: {  	_ =	shalt  }
0x71: {  	_ =	shalt  }
0x72: {  	_ =	shalt  }
0x73: {  	_ =	shalt  }
0x74: {  	_ =	shalt  }
0x75: {  	_ =	shalt  }
0x76: {  	_ =	shalt  }
0x77: {  	_ =	shalt  }
0x78: {  	_ =	shalt  }
0x79: {  	_ =	shalt  }
0x7a: {  	_ =	shalt  }
0x7b: {  	_ =	shalt  }
0x7c: {  	_ =	shalt  }
0x7d: {  	_ =	shalt  }
0x7e: {  	_ =	shalt  }
0x7f: {  	_ =	shalt  }
0x80: {  	_ =	shalt  }
0x81: {  	_ =	shalt  }
0x82: {  	_ =	shalt  }
0x83: {  	_ =	shalt  }
0x84: {  	_ =	shalt  }
0x85: {  	_ =	shalt  }
0x86: {  	_ =	shalt  }
0x87: {  	_ =	shalt  }
.Lfunc_end0:
.L_simem_size_0:
called_computation_lowered:
.L_overlay_start_0:
0x88: {  	s2 =	sld [smem:$0x3FD9]  }
0x89: {  	s3 =	sld [smem:$0x3FFE];
	_ =	sdelay $0x1  }
0x8a: {  	s1 =	srdreg.scid  }
0x8b: {  	s0 =	sand.u32 $0x1, s1  }
0x8c: {  	s18 =	sshll.u32 s0, $0xA;
	s2 =	sadd.s32 s3, s2  }
0x8d: {  	s2 =	sadd.s32 s2, s18  }
0x8e: {  	[smem:$0x3FC6] =	sst s2  }
0x8f: {  	_ = 	snop  }
0x90: {  	s2 =	sld [smem:$0x3FC9]  }
0x91: {  	s19 =	sld [smem:$0x3FC8]  }
0x92: {  	s4 =	sld [smem:$0x3FD0];
	(tm) =	ssettm $0x1  }
0x93: {  	s5 =	sld [smem:$0x3FFB];
	_ =	sdelay $0x3  }
0x94: {  	_ =	strace s5  }
0x95: {  	s5 =	sld [smem:$0x3FFC];
	_ =	sdelay $0x3  }
0x96: {  	_ =	strace s5  }
0x97: {  	s5 =	sld [smem:$0x3FFD];
	_ =	sdelay $0x3  }
0x98: {  	_ =	strace s5  }
0x99: {  	_ =	strace $0x8FFFFFFF  }
0x9a: {  	s20 =	sld [smem:$0x3FDB];
	_ =	sdelay $0x1  }
0x9b: {  	s6 =	simm.s32 $_scs_section_size  }
0x9c: {  	s7 =	simm.s32 $_size__tile_overlayer_lowered;
	s8 =	simm.s32 $_tile_overlayer_lowered  }
0x9d: {  	s23 =	simm.s32 $0x1BFF;
	s22 =	sshll.u32 s8, $0x1;
	s5 =	sadd.s32 s6, s20  }
0x9e: {  	s9 =	simm.s32 $0x0;
	s21 =	sshll.u32 s7, $0x1;
	s7 =	sadd.s32 s22, s5  }
0x9f: {  	[timem:s9], [sflag:s23] =	dma.local [hbm:s7], s21  }
0xa0: {  	_ =	swait.ge [sflag:s23], s21  }
0xa1: {  	s6 =	ssub.s32 $0x0, s21;
	[sflag:s23] =	ssyncset.done $0x0  }
0xa2: {  	[sflag:s23] =	ssyncadd.s32 s6;
	_ =	sdelay $0x1  }
0xa3: {  	s24 =	simm.s32 $0x1B8B  }
0xa4: {  	_ =	swait.ge [sflag:s24], $0x1  }
0xa5: {  	[sflag:s24] =	ssyncset.done $0x0  }
0xa6: {  	s25 =	simm.s32 $0x1B8E;
	[sflag:s24] =	ssyncadd.s32 $0xFFFFFFFF  }
0xa7: {  	s26 =	simm.s32 $execute0_lowered;
	[smem:$0x3FD2] =	sst s25  }
0xa8: {  	s6 =	sshll.u32 s26, $0x1;
	_ =	strace $0x80000046;
	[dreg:$0x1] =	wrdreg $0xFFFFFFFF  }
0xa9: {  	s28 =	simm.s32 $_size_execute0_lowered;
	s5 =	sadd.s32 s5, s6;
	[dreg:$0x0] =	wrdreg $0x0  }
0xaa: {  	s6 =	sshll.u32 s28, $0x1;
	[dreg:$0x2] =	wrdreg s5  }
0xab: {  	[dreg:$0x3] =	wrdreg s6  }
0xac: {  	[dreg:$0x4] =	wrdreg $0xC0  }
0xad: {  	_ =	task [dreg:s9], $0x5FFFF  }
0xae: {  	[dreg:$0x1] =	wrdreg $0xFFFFFFFF  }
0xaf: {  	[dreg:$0x0] =	wrdreg $0x60  }
0xb0: {  	[dreg:$0x2] =	wrdreg s2  }
0xb1: {  	[dreg:$0x3] =	wrdreg s19  }
0xb2: {  	[dreg:$0x4] =	wrdreg s4  }
0xb3: {  	[dreg:$0x5] =	wrdreg $0x9  }
0xb4: {  	_ =	task.clear_ibuf [dreg:s9], $0x6FFFF;
	_ =	strace $0x90000046  }
0xb5: {  	s29 =	simm.s32 $0x9;
	_ =	strace $0x80000048  }
0xb6: {  	_ =	swait.ge [sflag:s29], $0x1  }
0xb7: {  	[sflag:s29] =	ssyncadd.s32 $0xFFFFFFFF  }
0xb8: {  	_ =	strace $0x90000048  }
0xb9: {  	_ =	sfence  }
0xba: {  	s30 =	sld [smem:$0x0];
	_ =	sdelay $0x2  }
0xbb: {  	s31 =	sshll.u32 s1, $0xD;
	s1 =	sshrl.u32 s1, $0x2  }
0xbc: {  	s3 =	sand.u32 $0x4000, s31;
	s1 =	sadd.s32 s1, s30  }
0xbd: {  	s0 =	sor.u32 s3, s0;
	s1 =	sshll.u32 s1, $0x11  }
0xbe: {  	s0 =	sor.u32 s1, s0  }
0xbf: {  	s0 =	sadd.s32 $0x8F2B, s0  }
0xc0: {  	[sflag:s0] =	ssyncadd.remote.s32 $0x1  }
0xc1: {  	_ =	sfence.sel $0xFFFF  }
0xc2: {  	[dreg:$0x0] =	wrdreg $0xFFFFFFFF;
	(pc) =	sbr.abs _section_cstart, $3  }
0xc3: {  	[dreg:$0x1] =	wrdreg $0xFFFFFFFF  }
0xc4: {  	_ =	task.clear_ibuf [dreg:s9], $0x2FFFF;
	_ =	strace $0x9FFFFFFF  }
0xc5: {  	(tm) =	ssettm $0x7FFFFFFF  }
tec
execute0_lowered:
.L_overlay_start_1:
0x0: {  	(tag) =	ssettag $0x1  }
0x1: {  	s0 =	srdreg.scid  }
0x2: {  	s1 =	rddreg [dreg:$0x0];
	s3 =	stileid.u32;
	s0 =	sand.u32 $0x1, s0  }
0x3: {  	s3 =	sshll.u32 s3, $0x15;
	s2 =	ssub.s32 $0x2, s0;
	s0 =	sshll.u32 s0, $0x14  }
0x4: {  	s4 =	rddreg [dreg:$0x2];
	s5 =	simm.s32 $0x0;
	s6 =	sor.u32 s0, s3  }
0x5: {  	s30 =	simm.s32 $0x80;
	s7 =	sshrl.u32 s2, $0x1;
	s14 =	sshrl.u32 s6, $0x3  }
0x6: {  	[smem:$0x7FF] =	sst s5;
	s13 =	ssub.s32 s2, s7;
	s9 =	sadd.s32 s1, s14  }
0x7: {  	_ =	strace $0x80000047;
	s0 =	smax.u32 s13, $0x1;
	[dreg:$0x4] =	wrdreg s9  }
0x8: {  	s15 =	sor.u32 $0x400, s14;
	s2 =	sadd.s32 s4, s14;
	[dreg:$0x12] =	wrdreg s0  }
0x9: {  	s16 =	sor.u32 $0x800, s14;
	s8 =	sadd.s32 s1, s15;
	[dreg:$0x8] =	wrdreg s2  }
0xa: {  	s18 =	sor.u32 $0xC00, s14;
	s17 =	sadd.s32 s1, s16;
	[dreg:$0x5] =	wrdreg s8  }
0xb: {  	s31 =	simm.s32 $0x2080;
	s10 =	sadd.s32 s1, s18;
	[dreg:$0x6] =	wrdreg s17  }
0xc: {  	s12 =	simm.s32 $0x3;
	s19 =	sadd.s32 $0x1000, s9;
	[dreg:$0x7] =	wrdreg s10  }
0xd: {  	s13 =	simm.s32 $0xC080;
	s3 =	sadd.s32 s4, s15;
	[dreg:$0x9] =	wrdreg s19  }
0xe: {  	s14 =	simm.s32 $0x4;
	s20 =	sadd.s32 $0x1400, s9;
	[dreg:$0xa] =	wrdreg s3  }
0xf: {  	s21 =	sadd.s32 s4, s16;
	s22 =	sadd.s32 $0x1800, s9;
	[dreg:$0xb] =	wrdreg s20  }
0x10: {  	s23 =	sadd.s32 s4, s18;
	s24 =	sadd.s32 $0x1C00, s9;
	[dreg:$0xc] =	wrdreg s21  }
0x11: {  	s25 =	sadd.s32 $0x1F000, s2;
	s26 =	sadd.s32 $0x1F400, s2;
	[dreg:$0xd] =	wrdreg s22  }
0x12: {  	s28 =	sadd.s32 $0x1F800, s2;
	s29 =	sadd.s32 $0x1FC00, s2;
	[dreg:$0xe] =	wrdreg s23  }
0x13: {  	s0 =	simm.s32 $0x4080;
	s2 =	simm.s32 $0x1;
	[dreg:$0xf] =	wrdreg s24  }
0x14: {  	s9 =	simm.s32 $0x2;
	s15 =	simm.s32 $0xE080;
	[dreg:$0x10] =	wrdreg s25  }
0x15: {  	s16 =	simm.s32 $0x5;
	s18 =	simm.s32 $0x7;
	[dreg:$0x11] =	wrdreg s26  }
0x16: {  	s19 =	sor.u32 $0x8000, s6;
	s20 =	sor.u32 $0xA000, s6;
	[dreg:$0x13] =	wrdreg s28  }
0x17: {  	s21 =	sor.u32 $0xC000, s6;
	s22 =	sor.u32 $0xE000, s6;
	[dreg:$0x14] =	wrdreg s29  }
0x18: {  	s3 =	simm.s32 $0x6080;
	s8 =	simm.s32 $0x8080;
	s10 =	simm.s32 $0xA080  }
0x19: {  	s17 =	simm.s32 $0x6;
	s23 =	simm.s32 $0x8;
	s24 =	simm.s32 $0x0  }
.LBB2_1:
0x1a: {  	s7 =	rddreg [dreg:$0x1];
	s11 =	simm.s32 $0x9  }
0x1b: {  	[tilespmem:s5], [sflag:$0x9] =	stream.linear.gather [hbm4b:s7+s5], $0x80, $0x38;
	[tilespmem:$0x10080] =	vst v63  }
0x1c: {  	_ =	swait.ge [sflag:s11], $0x80  }
0x1d: {  	[sflag:s11] =	ssyncset.done $0x0  }
0x1e: {  	[sflag:s11] =	ssyncadd.s32 $0xFFFFFF80  }
0x1f: {  	v0 =	vld [tilespmem:$0x0]  }
0x20: {  	v1 =	vld [tilespmem:$0x10]  }
0x21: {  	v3 =	vld [tilespmem:$0x20]  }
0x22: {  	v4 =	vld [tilespmem:$0x30]  }
0x23: {  	v5 =	vld [tilespmem:$0x40]  }
0x24: {  	v6 =	vld [tilespmem:$0x50]  }
0x25: {  	s25 =	rddreg [dreg:$0x4];
	v2 =	vld [tilespmem:$0x70]  }
0x26: {  	v7 =	vld [tilespmem:$0x60];
	[tilespmem:s30], [sflag:$0x1] =	stream.linear.gather [hbm4b:s25+s5], $0x2000, $0x38  }
0x27: {  	s26 =	rddreg [dreg:$0x5]  }
0x28: {  	[tilespmem:s31], [sflag:$0x2] =	stream.linear.gather [hbm4b:s26+s5], $0x2000, $0x38;
	[tilespmem:$0x10080] =	vst v63  }
0x29: {  	s28 =	rddreg [dreg:$0x6];
	v0 =	vtrunc.f32 v0  }
0x2a: {  	[tilespmem:s0], [sflag:$0x3] =	stream.linear.gather [hbm4b:s28+s5], $0x2000, $0x38;
	v2 =	vtrunc.f32 v2;
	v0 =	vcvt.f32.s32 v0;
	[tilespmem:$0x10080] =	vst v63  }
0x2b: {  	s29 =	rddreg [dreg:$0x7];
	v8 =	vtrunc.f32 v1;
	v1 =	vcvt.f32.s32 v2  }
0x2c: {  	v3 =	vtrunc.f32 v3;
	v2 =	vcvt.f32.s32 v8;
	[tilespmem:s3], [sflag:$0x4] =	stream.linear.gather [hbm4b:s29+s5], $0x2000, $0x38;
	[tilespmem:$0x10080] =	vst v63  }
0x2d: {  	v4 =	vtrunc.f32 v4;
	v3 =	vcvt.f32.s32 v3;
	_ =	swait.ge [sflag:s2], $0x2000  }
0x2e: {  	v5 =	vtrunc.f32 v5;
	v4 =	vcvt.f32.s32 v4;
	[sflag:s2] =	ssyncset.done $0x0  }
0x2f: {  	s11 =	simm.s32 $0x100;
	v6 =	vtrunc.f32 v6;
	v5 =	vcvt.f32.s32 v5;
	[sflag:s2] =	ssyncadd.s32 $0xFFFFE000  }
0x30: {  	v7 =	vtrunc.f32 v7;
	v6 =	vcvt.f32.s32 v6;
	v8 =	vld.idx.msk [tilespmem:v0+s11+$0x0], $0xffff  }
0x31: {  	v7 =	vcvt.f32.s32 v7;
	v9 =	vld.idx.msk [tilespmem:v1+s11+$0x0], $0xffff  }
0x32: {  	v10 =	vld.idx.msk [tilespmem:v2+s11+$0x0], $0xffff  }
0x33: {  	v11 =	vld.idx.msk [tilespmem:v3+s11+$0x0], $0xffff  }
0x34: {  	v12 =	vld.idx.msk [tilespmem:v4+s11+$0x0], $0xffff  }
0x35: {  	v13 =	vld.idx.msk [tilespmem:v5+s11+$0x0], $0xffff  }
0x36: {  	s7 =	simm.s32 $0x8100;
	v14 =	vld.idx.msk [tilespmem:v6+s11+$0x0], $0xffff  }
0x37: {  	v15 =	vld.idx.msk [tilespmem:v7+s11+$0x0], $0xffff;
	[tilespmem:s7+$0x70] =	vst v9  }
0x38: {  	v16 =	vld.idx.msk [tilespmem:v2+s11+$0xFFFFFF80], $0xffff;
	[tilespmem:s7+$0x0] =	vst v8  }
0x39: {  	v9 =	vld.idx.msk [tilespmem:v3+s11+$0xFFFFFF80], $0xffff;
	[tilespmem:s7+$0x10] =	vst v10  }
0x3a: {  	v10 =	vld.idx.msk [tilespmem:v4+s11+$0xFFFFFF80], $0xffff;
	[tilespmem:s7+$0x20] =	vst v11  }
0x3b: {  	v11 =	vld.idx.msk [tilespmem:v5+s11+$0xFFFFFF80], $0xffff;
	[tilespmem:s7+$0x30] =	vst v12  }
0x3c: {  	v12 =	vld.idx.msk [tilespmem:v6+s11+$0xFFFFFF80], $0xffff;
	[tilespmem:s7+$0x40] =	vst v13  }
0x3d: {  	v13 =	vld.idx.msk [tilespmem:v7+s11+$0xFFFFFF80], $0xffff;
	[tilespmem:s7+$0x50] =	vst v14  }
0x3e: {  	v8 =	vld.idx.msk [tilespmem:v1+s11+$0xFFFFFF80], $0xffff;
	[tilespmem:s7+$0x60] =	vst v15  }
0x3f: {  	s25 =	simm.s32 $0x0;
	v14 =	vld.idx.msk [tilespmem:v0+s11+$0xFFFFFF80], $0xffff;
	[tilespmem:s7+$0xFFFFFF90] =	vst v16;
	s11 =	simm.s32 $0x200  }
.LBB2_2:
0x40: {  	v15 =	vld.idx.msk [tilespmem:v0+s11+$0x0], $0xffff;
	[tilespmem:s7+$0xFFFFFFA0] =	vst v9  }
0x41: {  	s25 =	sadd.s32 $0x2, s25;
	v9 =	vld.idx.msk [tilespmem:v1+s11+$0x0], $0xffff;
	[tilespmem:s7+$0xFFFFFFB0] =	vst v10  }
0x42: {  	p0 =	slt.u32 s25, $0x3E;
	v10 =	vld.idx.msk [tilespmem:v2+s11+$0x0], $0xffff;
	[tilespmem:s7+$0xFFFFFFC0] =	vst v11  }
0x43: {  	v11 =	vld.idx.msk [tilespmem:v3+s11+$0x0], $0xffff;
	[tilespmem:s7+$0xFFFFFFD0] =	vst v12  }
0x44: {  	v12 =	vld.idx.msk [tilespmem:v4+s11+$0x0], $0xffff;
	[tilespmem:s7+$0xFFFFFFE0] =	vst v13  }
0x45: {  	v13 =	vld.idx.msk [tilespmem:v5+s11+$0x0], $0xffff;
	[tilespmem:s7+$0xFFFFFF80] =	vst v14  }
0x46: {  	v14 =	vld.idx.msk [tilespmem:v6+s11+$0x0], $0xffff;
	[tilespmem:s7+$0xFFFFFFF0] =	vst v8;
	s7 =	sadd.s32 $0x100, s7  }
0x47: {  	v16 =	vld.idx.msk [tilespmem:v7+s11+$0x0], $0xffff;
	[tilespmem:s7+$0x70] =	vst v9  }
0x48: {  	v17 =	vld.idx.msk [tilespmem:v2+s11+$0xFFFFFF80], $0xffff;
	[tilespmem:s7+$0x0] =	vst v15  }
0x49: {  	v9 =	vld.idx.msk [tilespmem:v3+s11+$0xFFFFFF80], $0xffff;
	[tilespmem:s7+$0x10] =	vst v10  }
0x4a: {  	v10 =	vld.idx.msk [tilespmem:v4+s11+$0xFFFFFF80], $0xffff;
	[tilespmem:s7+$0x20] =	vst v11  }
.Ltmp0:
0x4b: {  	v11 =	vld.idx.msk [tilespmem:v5+s11+$0xFFFFFF80], $0xffff;
	[tilespmem:s7+$0x30] =	vst v12;
	(pc) =	sbr.rel @p0 .LBB2_2-.Ltmp0, $4  }
0x4c: {  	v12 =	vld.idx.msk [tilespmem:v6+s11+$0xFFFFFF80], $0xffff;
	[tilespmem:s7+$0x40] =	vst v13  }
0x4d: {  	v13 =	vld.idx.msk [tilespmem:v7+s11+$0xFFFFFF80], $0xffff;
	[tilespmem:s7+$0x50] =	vst v14  }
0x4e: {  	v8 =	vld.idx.msk [tilespmem:v1+s11+$0xFFFFFF80], $0xffff;
	[tilespmem:s7+$0x60] =	vst v16  }
0x4f: {  	v14 =	vld.idx.msk [tilespmem:v0+s11+$0xFFFFFF80], $0xffff;
	[tilespmem:s7+$0xFFFFFF90] =	vst v17;
	s11 =	sadd.s32 $0x100, s11  }
0x50: {  	[tilespmem:s7+$0xFFFFFFA0] =	vst v9  }
0x51: {  	[tilespmem:s7+$0xFFFFFFB0] =	vst v10  }
0x52: {  	[tilespmem:s7+$0xFFFFFFC0] =	vst v11  }
0x53: {  	[tilespmem:s7+$0xFFFFFFD0] =	vst v12  }
0x54: {  	[tilespmem:s7+$0xFFFFFFE0] =	vst v13  }
0x55: {  	[tilespmem:s7+$0xFFFFFFF0] =	vst v8  }
0x56: {  	[tilespmem:s7+$0xFFFFFF80] =	vst v14  }
0x57: {  	s7 =	rddreg [dreg:$0x8]  }
0x58: {  	[hbm4b:s7+s5] =	stream.linear.scatter [tilespmem:s8], [sflag:$0x5], $0x2000, $0x38;
	[tilespmem:$0x10080] =	vst v63  }
0x59: {  	s29 =	rddreg [dreg:$0x9]  }
0x5a: {  	[tilespmem:s30], [sflag:$0x1] =	stream.linear.gather [hbm4b:s29+s5], $0x2000, $0x38;
	[tilespmem:$0x10080] =	vst v63  }
0x5b: {  	_ =	swait.ge [sflag:s9], $0x2000  }
0x5c: {  	[sflag:s9] =	ssyncset.done $0x0  }
0x5d: {  	s11 =	simm.s32 $0x2100;
	[sflag:s9] =	ssyncadd.s32 $0xFFFFE000  }
0x5e: {  	v8 =	vld.idx.msk [tilespmem:v0+s11+$0x0], $0xffff  }
0x5f: {  	v9 =	vld.idx.msk [tilespmem:v1+s11+$0x0], $0xffff  }
0x60: {  	v10 =	vld.idx.msk [tilespmem:v2+s11+$0x0], $0xffff  }
0x61: {  	v11 =	vld.idx.msk [tilespmem:v3+s11+$0x0], $0xffff  }
0x62: {  	v12 =	vld.idx.msk [tilespmem:v4+s11+$0x0], $0xffff  }
0x63: {  	v13 =	vld.idx.msk [tilespmem:v5+s11+$0x0], $0xffff  }
0x64: {  	s7 =	simm.s32 $0xA100;
	v14 =	vld.idx.msk [tilespmem:v6+s11+$0x0], $0xffff  }
0x65: {  	v15 =	vld.idx.msk [tilespmem:v7+s11+$0x0], $0xffff;
	[tilespmem:s7+$0x70] =	vst v9  }
0x66: {  	v16 =	vld.idx.msk [tilespmem:v2+s11+$0xFFFFFF80], $0xffff;
	[tilespmem:s7+$0x0] =	vst v8  }
0x67: {  	v9 =	vld.idx.msk [tilespmem:v3+s11+$0xFFFFFF80], $0xffff;
	[tilespmem:s7+$0x10] =	vst v10  }
0x68: {  	v10 =	vld.idx.msk [tilespmem:v4+s11+$0xFFFFFF80], $0xffff;
	[tilespmem:s7+$0x20] =	vst v11  }
0x69: {  	v11 =	vld.idx.msk [tilespmem:v5+s11+$0xFFFFFF80], $0xffff;
	[tilespmem:s7+$0x30] =	vst v12  }
0x6a: {  	v12 =	vld.idx.msk [tilespmem:v6+s11+$0xFFFFFF80], $0xffff;
	[tilespmem:s7+$0x40] =	vst v13  }
0x6b: {  	v13 =	vld.idx.msk [tilespmem:v7+s11+$0xFFFFFF80], $0xffff;
	[tilespmem:s7+$0x50] =	vst v14  }
0x6c: {  	v8 =	vld.idx.msk [tilespmem:v1+s11+$0xFFFFFF80], $0xffff;
	[tilespmem:s7+$0x60] =	vst v15  }
0x6d: {  	s25 =	simm.s32 $0x0;
	v14 =	vld.idx.msk [tilespmem:v0+s11+$0xFFFFFF80], $0xffff;
	[tilespmem:s7+$0xFFFFFF90] =	vst v16;
	s11 =	simm.s32 $0x2200  }
.LBB2_4:
0x6e: {  	v15 =	vld.idx.msk [tilespmem:v0+s11+$0x0], $0xffff;
	[tilespmem:s7+$0xFFFFFFA0] =	vst v9  }
0x6f: {  	s25 =	sadd.s32 $0x2, s25;
	v9 =	vld.idx.msk [tilespmem:v1+s11+$0x0], $0xffff;
	[tilespmem:s7+$0xFFFFFFB0] =	vst v10  }
0x70: {  	p0 =	slt.u32 s25, $0x3E;
	v10 =	vld.idx.msk [tilespmem:v2+s11+$0x0], $0xffff;
	[tilespmem:s7+$0xFFFFFFC0] =	vst v11  }
0x71: {  	v11 =	vld.idx.msk [tilespmem:v3+s11+$0x0], $0xffff;
	[tilespmem:s7+$0xFFFFFFD0] =	vst v12  }
0x72: {  	v12 =	vld.idx.msk [tilespmem:v4+s11+$0x0], $0xffff;
	[tilespmem:s7+$0xFFFFFFE0] =	vst v13  }
0x73: {  	v13 =	vld.idx.msk [tilespmem:v5+s11+$0x0], $0xffff;
	[tilespmem:s7+$0xFFFFFF80] =	vst v14  }
0x74: {  	v14 =	vld.idx.msk [tilespmem:v6+s11+$0x0], $0xffff;
	[tilespmem:s7+$0xFFFFFFF0] =	vst v8;
	s7 =	sadd.s32 $0x100, s7  }
0x75: {  	v16 =	vld.idx.msk [tilespmem:v7+s11+$0x0], $0xffff;
	[tilespmem:s7+$0x70] =	vst v9  }
0x76: {  	v17 =	vld.idx.msk [tilespmem:v2+s11+$0xFFFFFF80], $0xffff;
	[tilespmem:s7+$0x0] =	vst v15  }
0x77: {  	v9 =	vld.idx.msk [tilespmem:v3+s11+$0xFFFFFF80], $0xffff;
	[tilespmem:s7+$0x10] =	vst v10  }
0x78: {  	v10 =	vld.idx.msk [tilespmem:v4+s11+$0xFFFFFF80], $0xffff;
	[tilespmem:s7+$0x20] =	vst v11  }
.Ltmp1:
0x79: {  	v11 =	vld.idx.msk [tilespmem:v5+s11+$0xFFFFFF80], $0xffff;
	[tilespmem:s7+$0x30] =	vst v12;
	(pc) =	sbr.rel @p0 .LBB2_4-.Ltmp1, $4  }
0x7a: {  	v12 =	vld.idx.msk [tilespmem:v6+s11+$0xFFFFFF80], $0xffff;
	[tilespmem:s7+$0x40] =	vst v13  }
0x7b: {  	v13 =	vld.idx.msk [tilespmem:v7+s11+$0xFFFFFF80], $0xffff;
	[tilespmem:s7+$0x50] =	vst v14  }
0x7c: {  	v8 =	vld.idx.msk [tilespmem:v1+s11+$0xFFFFFF80], $0xffff;
	[tilespmem:s7+$0x60] =	vst v16  }
0x7d: {  	v14 =	vld.idx.msk [tilespmem:v0+s11+$0xFFFFFF80], $0xffff;
	[tilespmem:s7+$0xFFFFFF90] =	vst v17;
	s11 =	sadd.s32 $0x100, s11  }
0x7e: {  	[tilespmem:s7+$0xFFFFFFA0] =	vst v9  }
0x7f: {  	[tilespmem:s7+$0xFFFFFFB0] =	vst v10  }
0x80: {  	[tilespmem:s7+$0xFFFFFFC0] =	vst v11  }
0x81: {  	[tilespmem:s7+$0xFFFFFFD0] =	vst v12  }
0x82: {  	[tilespmem:s7+$0xFFFFFFE0] =	vst v13  }
0x83: {  	[tilespmem:s7+$0xFFFFFFF0] =	vst v8  }
0x84: {  	[tilespmem:s7+$0xFFFFFF80] =	vst v14  }
0x85: {  	s7 =	rddreg [dreg:$0xa]  }
0x86: {  	[hbm4b:s7+s5] =	stream.linear.scatter [tilespmem:s10], [sflag:$0x6], $0x2000, $0x38;
	[tilespmem:$0x10080] =	vst v63  }
0x87: {  	s29 =	rddreg [dreg:$0xb]  }
0x88: {  	[tilespmem:s31], [sflag:$0x2] =	stream.linear.gather [hbm4b:s29+s5], $0x2000, $0x38;
	[tilespmem:$0x10080] =	vst v63  }
0x89: {  	_ =	swait.ge [sflag:s12], $0x2000  }
0x8a: {  	[sflag:s12] =	ssyncset.done $0x0  }
0x8b: {  	s11 =	simm.s32 $0x4100;
	[sflag:s12] =	ssyncadd.s32 $0xFFFFE000  }
0x8c: {  	v8 =	vld.idx.msk [tilespmem:v0+s11+$0x0], $0xffff  }
0x8d: {  	v9 =	vld.idx.msk [tilespmem:v1+s11+$0x0], $0xffff  }
0x8e: {  	v10 =	vld.idx.msk [tilespmem:v2+s11+$0x0], $0xffff  }
0x8f: {  	v11 =	vld.idx.msk [tilespmem:v3+s11+$0x0], $0xffff  }
0x90: {  	v12 =	vld.idx.msk [tilespmem:v4+s11+$0x0], $0xffff  }
0x91: {  	v13 =	vld.idx.msk [tilespmem:v5+s11+$0x0], $0xffff  }
0x92: {  	s7 =	simm.s32 $0xC100;
	v14 =	vld.idx.msk [tilespmem:v6+s11+$0x0], $0xffff  }
0x93: {  	v15 =	vld.idx.msk [tilespmem:v7+s11+$0x0], $0xffff;
	[tilespmem:s7+$0x70] =	vst v9  }
0x94: {  	v16 =	vld.idx.msk [tilespmem:v2+s11+$0xFFFFFF80], $0xffff;
	[tilespmem:s7+$0x0] =	vst v8  }
0x95: {  	v9 =	vld.idx.msk [tilespmem:v3+s11+$0xFFFFFF80], $0xffff;
	[tilespmem:s7+$0x10] =	vst v10  }
0x96: {  	v10 =	vld.idx.msk [tilespmem:v4+s11+$0xFFFFFF80], $0xffff;
	[tilespmem:s7+$0x20] =	vst v11  }
0x97: {  	v11 =	vld.idx.msk [tilespmem:v5+s11+$0xFFFFFF80], $0xffff;
	[tilespmem:s7+$0x30] =	vst v12  }
0x98: {  	v12 =	vld.idx.msk [tilespmem:v6+s11+$0xFFFFFF80], $0xffff;
	[tilespmem:s7+$0x40] =	vst v13  }
0x99: {  	v13 =	vld.idx.msk [tilespmem:v7+s11+$0xFFFFFF80], $0xffff;
	[tilespmem:s7+$0x50] =	vst v14  }
0x9a: {  	v8 =	vld.idx.msk [tilespmem:v1+s11+$0xFFFFFF80], $0xffff;
	[tilespmem:s7+$0x60] =	vst v15  }
0x9b: {  	s25 =	simm.s32 $0x0;
	v14 =	vld.idx.msk [tilespmem:v0+s11+$0xFFFFFF80], $0xffff;
	[tilespmem:s7+$0xFFFFFF90] =	vst v16;
	s11 =	simm.s32 $0x4200  }
.LBB2_6:
0x9c: {  	v15 =	vld.idx.msk [tilespmem:v0+s11+$0x0], $0xffff;
	[tilespmem:s7+$0xFFFFFFA0] =	vst v9  }
0x9d: {  	s25 =	sadd.s32 $0x2, s25;
	v9 =	vld.idx.msk [tilespmem:v1+s11+$0x0], $0xffff;
	[tilespmem:s7+$0xFFFFFFB0] =	vst v10  }
0x9e: {  	p0 =	slt.u32 s25, $0x3E;
	v10 =	vld.idx.msk [tilespmem:v2+s11+$0x0], $0xffff;
	[tilespmem:s7+$0xFFFFFFC0] =	vst v11  }
0x9f: {  	v11 =	vld.idx.msk [tilespmem:v3+s11+$0x0], $0xffff;
	[tilespmem:s7+$0xFFFFFFD0] =	vst v12  }
0xa0: {  	v12 =	vld.idx.msk [tilespmem:v4+s11+$0x0], $0xffff;
	[tilespmem:s7+$0xFFFFFFE0] =	vst v13  }
0xa1: {  	v13 =	vld.idx.msk [tilespmem:v5+s11+$0x0], $0xffff;
	[tilespmem:s7+$0xFFFFFF80] =	vst v14  }
0xa2: {  	v14 =	vld.idx.msk [tilespmem:v6+s11+$0x0], $0xffff;
	[tilespmem:s7+$0xFFFFFFF0] =	vst v8;
	s7 =	sadd.s32 $0x100, s7  }
0xa3: {  	v16 =	vld.idx.msk [tilespmem:v7+s11+$0x0], $0xffff;
	[tilespmem:s7+$0x70] =	vst v9  }
0xa4: {  	v17 =	vld.idx.msk [tilespmem:v2+s11+$0xFFFFFF80], $0xffff;
	[tilespmem:s7+$0x0] =	vst v15  }
0xa5: {  	v9 =	vld.idx.msk [tilespmem:v3+s11+$0xFFFFFF80], $0xffff;
	[tilespmem:s7+$0x10] =	vst v10  }
0xa6: {  	v10 =	vld.idx.msk [tilespmem:v4+s11+$0xFFFFFF80], $0xffff;
	[tilespmem:s7+$0x20] =	vst v11  }
.Ltmp2:
0xa7: {  	v11 =	vld.idx.msk [tilespmem:v5+s11+$0xFFFFFF80], $0xffff;
	[tilespmem:s7+$0x30] =	vst v12;
	(pc) =	sbr.rel @p0 .LBB2_6-.Ltmp2, $4  }
0xa8: {  	v12 =	vld.idx.msk [tilespmem:v6+s11+$0xFFFFFF80], $0xffff;
	[tilespmem:s7+$0x40] =	vst v13  }
0xa9: {  	v13 =	vld.idx.msk [tilespmem:v7+s11+$0xFFFFFF80], $0xffff;
	[tilespmem:s7+$0x50] =	vst v14  }
0xaa: {  	v8 =	vld.idx.msk [tilespmem:v1+s11+$0xFFFFFF80], $0xffff;
	[tilespmem:s7+$0x60] =	vst v16  }
0xab: {  	v14 =	vld.idx.msk [tilespmem:v0+s11+$0xFFFFFF80], $0xffff;
	[tilespmem:s7+$0xFFFFFF90] =	vst v17;
	s11 =	sadd.s32 $0x100, s11  }
0xac: {  	[tilespmem:s7+$0xFFFFFFA0] =	vst v9  }
0xad: {  	[tilespmem:s7+$0xFFFFFFB0] =	vst v10  }
0xae: {  	[tilespmem:s7+$0xFFFFFFC0] =	vst v11  }
0xaf: {  	[tilespmem:s7+$0xFFFFFFD0] =	vst v12  }
0xb0: {  	[tilespmem:s7+$0xFFFFFFE0] =	vst v13  }
0xb1: {  	[tilespmem:s7+$0xFFFFFFF0] =	vst v8  }
0xb2: {  	[tilespmem:s7+$0xFFFFFF80] =	vst v14  }
0xb3: {  	s7 =	rddreg [dreg:$0xc]  }
0xb4: {  	[hbm4b:s7+s5] =	stream.linear.scatter [tilespmem:s13], [sflag:$0x7], $0x2000, $0x38;
	[tilespmem:$0x10080] =	vst v63  }
0xb5: {  	s29 =	rddreg [dreg:$0xd]  }
0xb6: {  	[tilespmem:s0], [sflag:$0x3] =	stream.linear.gather [hbm4b:s29+s5], $0x2000, $0x38;
	[tilespmem:$0x10080] =	vst v63  }
0xb7: {  	_ =	swait.ge [sflag:s14], $0x2000  }
0xb8: {  	[sflag:s14] =	ssyncset.done $0x0  }
0xb9: {  	s11 =	simm.s32 $0x6100;
	[sflag:s14] =	ssyncadd.s32 $0xFFFFE000  }
0xba: {  	v8 =	vld.idx.msk [tilespmem:v0+s11+$0x0], $0xffff  }
0xbb: {  	v9 =	vld.idx.msk [tilespmem:v1+s11+$0x0], $0xffff  }
0xbc: {  	v10 =	vld.idx.msk [tilespmem:v2+s11+$0x0], $0xffff  }
0xbd: {  	v11 =	vld.idx.msk [tilespmem:v3+s11+$0x0], $0xffff  }
0xbe: {  	v12 =	vld.idx.msk [tilespmem:v4+s11+$0x0], $0xffff  }
0xbf: {  	v13 =	vld.idx.msk [tilespmem:v5+s11+$0x0], $0xffff  }
0xc0: {  	s7 =	simm.s32 $0xE100;
	v14 =	vld.idx.msk [tilespmem:v6+s11+$0x0], $0xffff  }
0xc1: {  	v15 =	vld.idx.msk [tilespmem:v7+s11+$0x0], $0xffff;
	[tilespmem:s7+$0x70] =	vst v9  }
0xc2: {  	v16 =	vld.idx.msk [tilespmem:v2+s11+$0xFFFFFF80], $0xffff;
	[tilespmem:s7+$0x0] =	vst v8  }
0xc3: {  	v9 =	vld.idx.msk [tilespmem:v3+s11+$0xFFFFFF80], $0xffff;
	[tilespmem:s7+$0x10] =	vst v10  }
0xc4: {  	v10 =	vld.idx.msk [tilespmem:v4+s11+$0xFFFFFF80], $0xffff;
	[tilespmem:s7+$0x20] =	vst v11  }
0xc5: {  	v11 =	vld.idx.msk [tilespmem:v5+s11+$0xFFFFFF80], $0xffff;
	[tilespmem:s7+$0x30] =	vst v12  }
0xc6: {  	v12 =	vld.idx.msk [tilespmem:v6+s11+$0xFFFFFF80], $0xffff;
	[tilespmem:s7+$0x40] =	vst v13  }
0xc7: {  	v13 =	vld.idx.msk [tilespmem:v7+s11+$0xFFFFFF80], $0xffff;
	[tilespmem:s7+$0x50] =	vst v14  }
0xc8: {  	v8 =	vld.idx.msk [tilespmem:v1+s11+$0xFFFFFF80], $0xffff;
	[tilespmem:s7+$0x60] =	vst v15  }
0xc9: {  	s25 =	simm.s32 $0x0;
	v14 =	vld.idx.msk [tilespmem:v0+s11+$0xFFFFFF80], $0xffff;
	[tilespmem:s7+$0xFFFFFF90] =	vst v16;
	s11 =	simm.s32 $0x6200  }
.LBB2_8:
0xca: {  	v15 =	vld.idx.msk [tilespmem:v0+s11+$0x0], $0xffff;
	[tilespmem:s7+$0xFFFFFFA0] =	vst v9  }
0xcb: {  	s25 =	sadd.s32 $0x2, s25;
	v9 =	vld.idx.msk [tilespmem:v1+s11+$0x0], $0xffff;
	[tilespmem:s7+$0xFFFFFFB0] =	vst v10  }
0xcc: {  	p0 =	slt.u32 s25, $0x3E;
	v10 =	vld.idx.msk [tilespmem:v2+s11+$0x0], $0xffff;
	[tilespmem:s7+$0xFFFFFFC0] =	vst v11  }
0xcd: {  	v11 =	vld.idx.msk [tilespmem:v3+s11+$0x0], $0xffff;
	[tilespmem:s7+$0xFFFFFFD0] =	vst v12  }
0xce: {  	v12 =	vld.idx.msk [tilespmem:v4+s11+$0x0], $0xffff;
	[tilespmem:s7+$0xFFFFFFE0] =	vst v13  }
0xcf: {  	v13 =	vld.idx.msk [tilespmem:v5+s11+$0x0], $0xffff;
	[tilespmem:s7+$0xFFFFFF80] =	vst v14  }
0xd0: {  	v14 =	vld.idx.msk [tilespmem:v6+s11+$0x0], $0xffff;
	[tilespmem:s7+$0xFFFFFFF0] =	vst v8;
	s7 =	sadd.s32 $0x100, s7  }
0xd1: {  	v16 =	vld.idx.msk [tilespmem:v7+s11+$0x0], $0xffff;
	[tilespmem:s7+$0x70] =	vst v9  }
0xd2: {  	v17 =	vld.idx.msk [tilespmem:v2+s11+$0xFFFFFF80], $0xffff;
	[tilespmem:s7+$0x0] =	vst v15  }
0xd3: {  	v9 =	vld.idx.msk [tilespmem:v3+s11+$0xFFFFFF80], $0xffff;
	[tilespmem:s7+$0x10] =	vst v10  }
0xd4: {  	v10 =	vld.idx.msk [tilespmem:v4+s11+$0xFFFFFF80], $0xffff;
	[tilespmem:s7+$0x20] =	vst v11  }
.Ltmp3:
0xd5: {  	v11 =	vld.idx.msk [tilespmem:v5+s11+$0xFFFFFF80], $0xffff;
	[tilespmem:s7+$0x30] =	vst v12;
	(pc) =	sbr.rel @p0 .LBB2_8-.Ltmp3, $4  }
0xd6: {  	v12 =	vld.idx.msk [tilespmem:v6+s11+$0xFFFFFF80], $0xffff;
	[tilespmem:s7+$0x40] =	vst v13  }
0xd7: {  	v13 =	vld.idx.msk [tilespmem:v7+s11+$0xFFFFFF80], $0xffff;
	[tilespmem:s7+$0x50] =	vst v14  }
0xd8: {  	v8 =	vld.idx.msk [tilespmem:v1+s11+$0xFFFFFF80], $0xffff;
	[tilespmem:s7+$0x60] =	vst v16  }
0xd9: {  	v14 =	vld.idx.msk [tilespmem:v0+s11+$0xFFFFFF80], $0xffff;
	[tilespmem:s7+$0xFFFFFF90] =	vst v17;
	s11 =	sadd.s32 $0x100, s11  }
0xda: {  	[tilespmem:s7+$0xFFFFFFA0] =	vst v9  }
0xdb: {  	[tilespmem:s7+$0xFFFFFFB0] =	vst v10  }
0xdc: {  	[tilespmem:s7+$0xFFFFFFC0] =	vst v11  }
0xdd: {  	[tilespmem:s7+$0xFFFFFFD0] =	vst v12  }
0xde: {  	[tilespmem:s7+$0xFFFFFFE0] =	vst v13  }
0xdf: {  	[tilespmem:s7+$0xFFFFFFF0] =	vst v8  }
0xe0: {  	[tilespmem:s7+$0xFFFFFF80] =	vst v14  }
0xe1: {  	s7 =	rddreg [dreg:$0xe]  }
0xe2: {  	[hbm4b:s7+s5] =	stream.linear.scatter [tilespmem:s15], [sflag:$0x8], $0x2000, $0x38;
	[tilespmem:$0x10080] =	vst v63  }
0xe3: {  	s25 =	simm.s32 $0x1;
	s29 =	rddreg [dreg:$0xf]  }
0xe4: {  	[tilespmem:s3], [sflag:$0x4] =	stream.linear.gather [hbm4b:s29+s5], $0x2000, $0x38;
	[tilespmem:$0x10080] =	vst v63  }
.LBB2_10:
0xe5: {  	_ =	swait.ge [sflag:s2], $0x2000  }
0xe6: {  	[sflag:s2] =	ssyncset.done $0x0  }
0xe7: {  	[sflag:s2] =	ssyncadd.s32 $0xFFFFE000  }
0xe8: {  	_ =	swait.ge [sflag:s16], $0x2000  }
0xe9: {  	[sflag:s16] =	ssyncset.done $0x0  }
0xea: {  	s11 =	simm.s32 $0x100;
	[sflag:s16] =	ssyncadd.s32 $0xFFFFE000  }
0xeb: {  	v8 =	vld.idx.msk [tilespmem:v0+s11+$0x0], $0xffff  }
0xec: {  	v9 =	vld.idx.msk [tilespmem:v1+s11+$0x0], $0xffff  }
0xed: {  	v10 =	vld.idx.msk [tilespmem:v2+s11+$0x0], $0xffff  }
0xee: {  	v11 =	vld.idx.msk [tilespmem:v3+s11+$0x0], $0xffff  }
0xef: {  	v12 =	vld.idx.msk [tilespmem:v4+s11+$0x0], $0xffff  }
0xf0: {  	v13 =	vld.idx.msk [tilespmem:v5+s11+$0x0], $0xffff  }
0xf1: {  	s7 =	simm.s32 $0x8100;
	v14 =	vld.idx.msk [tilespmem:v6+s11+$0x0], $0xffff  }
0xf2: {  	v15 =	vld.idx.msk [tilespmem:v7+s11+$0x0], $0xffff;
	[tilespmem:s7+$0x70] =	vst v9  }
0xf3: {  	v16 =	vld.idx.msk [tilespmem:v2+s11+$0xFFFFFF80], $0xffff;
	[tilespmem:s7+$0x0] =	vst v8  }
0xf4: {  	v9 =	vld.idx.msk [tilespmem:v3+s11+$0xFFFFFF80], $0xffff;
	[tilespmem:s7+$0x10] =	vst v10  }
0xf5: {  	v10 =	vld.idx.msk [tilespmem:v4+s11+$0xFFFFFF80], $0xffff;
	[tilespmem:s7+$0x20] =	vst v11  }
0xf6: {  	v11 =	vld.idx.msk [tilespmem:v5+s11+$0xFFFFFF80], $0xffff;
	[tilespmem:s7+$0x30] =	vst v12  }
0xf7: {  	v12 =	vld.idx.msk [tilespmem:v6+s11+$0xFFFFFF80], $0xffff;
	[tilespmem:s7+$0x40] =	vst v13  }
0xf8: {  	v13 =	vld.idx.msk [tilespmem:v7+s11+$0xFFFFFF80], $0xffff;
	[tilespmem:s7+$0x50] =	vst v14  }
0xf9: {  	v8 =	vld.idx.msk [tilespmem:v1+s11+$0xFFFFFF80], $0xffff;
	[tilespmem:s7+$0x60] =	vst v15  }
0xfa: {  	s26 =	simm.s32 $0x0;
	v14 =	vld.idx.msk [tilespmem:v0+s11+$0xFFFFFF80], $0xffff;
	[tilespmem:s7+$0xFFFFFF90] =	vst v16;
	s11 =	simm.s32 $0x200  }
.LBB2_11:
0xfb: {  	v15 =	vld.idx.msk [tilespmem:v0+s11+$0x0], $0xffff;
	[tilespmem:s7+$0xFFFFFFA0] =	vst v9  }
0xfc: {  	s26 =	sadd.s32 $0x2, s26;
	v9 =	vld.idx.msk [tilespmem:v1+s11+$0x0], $0xffff;
	[tilespmem:s7+$0xFFFFFFB0] =	vst v10  }
0xfd: {  	p0 =	slt.u32 s26, $0x3E;
	v10 =	vld.idx.msk [tilespmem:v2+s11+$0x0], $0xffff;
	[tilespmem:s7+$0xFFFFFFC0] =	vst v11  }
0xfe: {  	v11 =	vld.idx.msk [tilespmem:v3+s11+$0x0], $0xffff;
	[tilespmem:s7+$0xFFFFFFD0] =	vst v12  }
0xff: {  	v12 =	vld.idx.msk [tilespmem:v4+s11+$0x0], $0xffff;
	[tilespmem:s7+$0xFFFFFFE0] =	vst v13  }
0x100: {  	v13 =	vld.idx.msk [tilespmem:v5+s11+$0x0], $0xffff;
	[tilespmem:s7+$0xFFFFFF80] =	vst v14  }
0x101: {  	v14 =	vld.idx.msk [tilespmem:v6+s11+$0x0], $0xffff;
	[tilespmem:s7+$0xFFFFFFF0] =	vst v8;
	s7 =	sadd.s32 $0x100, s7  }
0x102: {  	v16 =	vld.idx.msk [tilespmem:v7+s11+$0x0], $0xffff;
	[tilespmem:s7+$0x70] =	vst v9  }
0x103: {  	v17 =	vld.idx.msk [tilespmem:v2+s11+$0xFFFFFF80], $0xffff;
	[tilespmem:s7+$0x0] =	vst v15  }
0x104: {  	v9 =	vld.idx.msk [tilespmem:v3+s11+$0xFFFFFF80], $0xffff;
	[tilespmem:s7+$0x10] =	vst v10  }
0x105: {  	v10 =	vld.idx.msk [tilespmem:v4+s11+$0xFFFFFF80], $0xffff;
	[tilespmem:s7+$0x20] =	vst v11  }
.Ltmp4:
0x106: {  	v11 =	vld.idx.msk [tilespmem:v5+s11+$0xFFFFFF80], $0xffff;
	[tilespmem:s7+$0x30] =	vst v12;
	(pc) =	sbr.rel @p0 .LBB2_11-.Ltmp4, $4  }
0x107: {  	v12 =	vld.idx.msk [tilespmem:v6+s11+$0xFFFFFF80], $0xffff;
	[tilespmem:s7+$0x40] =	vst v13  }
0x108: {  	v13 =	vld.idx.msk [tilespmem:v7+s11+$0xFFFFFF80], $0xffff;
	[tilespmem:s7+$0x50] =	vst v14  }
0x109: {  	v8 =	vld.idx.msk [tilespmem:v1+s11+$0xFFFFFF80], $0xffff;
	[tilespmem:s7+$0x60] =	vst v16  }
0x10a: {  	v14 =	vld.idx.msk [tilespmem:v0+s11+$0xFFFFFF80], $0xffff;
	[tilespmem:s7+$0xFFFFFF90] =	vst v17;
	s11 =	sadd.s32 $0x100, s11  }
0x10b: {  	[tilespmem:s7+$0xFFFFFFA0] =	vst v9  }
0x10c: {  	[tilespmem:s7+$0xFFFFFFB0] =	vst v10  }
0x10d: {  	[tilespmem:s7+$0xFFFFFFC0] =	vst v11  }
0x10e: {  	s26 =	sshll.u32 s25, $0xF;
	[tilespmem:s7+$0xFFFFFFD0] =	vst v12  }
0x10f: {  	s11 =	sor.u32 s6, s26;
	[tilespmem:s7+$0xFFFFFFE0] =	vst v13  }
0x110: {  	s28 =	sshrl.u32 s11, $0x3;
	[tilespmem:s7+$0xFFFFFFF0] =	vst v8  }
0x111: {  	s11 =	sadd.s32 s4, s28;
	[tilespmem:s7+$0xFFFFFF80] =	vst v14  }
0x112: {  	[hbm4b:s11+s5] =	stream.linear.scatter [tilespmem:s8], [sflag:$0x5], $0x2000, $0x38;
	[tilespmem:$0x10080] =	vst v63  }
0x113: {  	s11 =	sadd.s32 s26, s19  }
0x114: {  	s7 =	sshrl.u32 s11, $0x3  }
0x115: {  	s7 =	sadd.s32 s1, s7  }
0x116: {  	[tilespmem:s30], [sflag:$0x1] =	stream.linear.gather [hbm4b:s7+s5], $0x2000, $0x38;
	[tilespmem:$0x10080] =	vst v63  }
0x117: {  	_ =	swait.ge [sflag:s9], $0x2000  }
0x118: {  	[sflag:s9] =	ssyncset.done $0x0  }
0x119: {  	[sflag:s9] =	ssyncadd.s32 $0xFFFFE000  }
0x11a: {  	_ =	swait.ge [sflag:s17], $0x2000  }
0x11b: {  	[sflag:s17] =	ssyncset.done $0x0  }
0x11c: {  	s11 =	simm.s32 $0x2100;
	[sflag:s17] =	ssyncadd.s32 $0xFFFFE000  }
0x11d: {  	v8 =	vld.idx.msk [tilespmem:v0+s11+$0x0], $0xffff  }
0x11e: {  	v9 =	vld.idx.msk [tilespmem:v1+s11+$0x0], $0xffff  }
0x11f: {  	v10 =	vld.idx.msk [tilespmem:v2+s11+$0x0], $0xffff  }
0x120: {  	v11 =	vld.idx.msk [tilespmem:v3+s11+$0x0], $0xffff  }
0x121: {  	v12 =	vld.idx.msk [tilespmem:v4+s11+$0x0], $0xffff  }
0x122: {  	v13 =	vld.idx.msk [tilespmem:v5+s11+$0x0], $0xffff  }
0x123: {  	s7 =	simm.s32 $0xA100;
	v14 =	vld.idx.msk [tilespmem:v6+s11+$0x0], $0xffff  }
0x124: {  	v15 =	vld.idx.msk [tilespmem:v7+s11+$0x0], $0xffff;
	[tilespmem:s7+$0x70] =	vst v9  }
0x125: {  	v16 =	vld.idx.msk [tilespmem:v2+s11+$0xFFFFFF80], $0xffff;
	[tilespmem:s7+$0x0] =	vst v8  }
0x126: {  	v9 =	vld.idx.msk [tilespmem:v3+s11+$0xFFFFFF80], $0xffff;
	[tilespmem:s7+$0x10] =	vst v10  }
0x127: {  	v10 =	vld.idx.msk [tilespmem:v4+s11+$0xFFFFFF80], $0xffff;
	[tilespmem:s7+$0x20] =	vst v11  }
0x128: {  	v11 =	vld.idx.msk [tilespmem:v5+s11+$0xFFFFFF80], $0xffff;
	[tilespmem:s7+$0x30] =	vst v12  }
0x129: {  	v12 =	vld.idx.msk [tilespmem:v6+s11+$0xFFFFFF80], $0xffff;
	[tilespmem:s7+$0x40] =	vst v13  }
0x12a: {  	v13 =	vld.idx.msk [tilespmem:v7+s11+$0xFFFFFF80], $0xffff;
	[tilespmem:s7+$0x50] =	vst v14  }
0x12b: {  	v8 =	vld.idx.msk [tilespmem:v1+s11+$0xFFFFFF80], $0xffff;
	[tilespmem:s7+$0x60] =	vst v15  }
0x12c: {  	s29 =	simm.s32 $0x2200;
	v14 =	vld.idx.msk [tilespmem:v0+s11+$0xFFFFFF80], $0xffff;
	s11 =	simm.s32 $0x0;
	[tilespmem:s7+$0xFFFFFF90] =	vst v16  }
.LBB2_13:
0x12d: {  	v15 =	vld.idx.msk [tilespmem:v0+s29+$0x0], $0xffff;
	[tilespmem:s7+$0xFFFFFFA0] =	vst v9  }
0x12e: {  	s11 =	sadd.s32 $0x2, s11;
	v9 =	vld.idx.msk [tilespmem:v1+s29+$0x0], $0xffff;
	[tilespmem:s7+$0xFFFFFFB0] =	vst v10  }
0x12f: {  	p0 =	slt.u32 s11, $0x3E;
	v10 =	vld.idx.msk [tilespmem:v2+s29+$0x0], $0xffff;
	[tilespmem:s7+$0xFFFFFFC0] =	vst v11  }
0x130: {  	v11 =	vld.idx.msk [tilespmem:v3+s29+$0x0], $0xffff;
	[tilespmem:s7+$0xFFFFFFD0] =	vst v12  }
0x131: {  	v12 =	vld.idx.msk [tilespmem:v4+s29+$0x0], $0xffff;
	[tilespmem:s7+$0xFFFFFFE0] =	vst v13  }
0x132: {  	v13 =	vld.idx.msk [tilespmem:v5+s29+$0x0], $0xffff;
	[tilespmem:s7+$0xFFFFFF80] =	vst v14  }
0x133: {  	v14 =	vld.idx.msk [tilespmem:v6+s29+$0x0], $0xffff;
	[tilespmem:s7+$0xFFFFFFF0] =	vst v8;
	s7 =	sadd.s32 $0x100, s7  }
0x134: {  	v16 =	vld.idx.msk [tilespmem:v7+s29+$0x0], $0xffff;
	[tilespmem:s7+$0x70] =	vst v9  }
0x135: {  	v17 =	vld.idx.msk [tilespmem:v2+s29+$0xFFFFFF80], $0xffff;
	[tilespmem:s7+$0x0] =	vst v15  }
0x136: {  	v9 =	vld.idx.msk [tilespmem:v3+s29+$0xFFFFFF80], $0xffff;
	[tilespmem:s7+$0x10] =	vst v10  }
0x137: {  	v10 =	vld.idx.msk [tilespmem:v4+s29+$0xFFFFFF80], $0xffff;
	[tilespmem:s7+$0x20] =	vst v11  }
.Ltmp5:
0x138: {  	v11 =	vld.idx.msk [tilespmem:v5+s29+$0xFFFFFF80], $0xffff;
	[tilespmem:s7+$0x30] =	vst v12;
	(pc) =	sbr.rel @p0 .LBB2_13-.Ltmp5, $4  }
0x139: {  	v12 =	vld.idx.msk [tilespmem:v6+s29+$0xFFFFFF80], $0xffff;
	[tilespmem:s7+$0x40] =	vst v13  }
0x13a: {  	v13 =	vld.idx.msk [tilespmem:v7+s29+$0xFFFFFF80], $0xffff;
	[tilespmem:s7+$0x50] =	vst v14  }
0x13b: {  	v8 =	vld.idx.msk [tilespmem:v1+s29+$0xFFFFFF80], $0xffff;
	[tilespmem:s7+$0x60] =	vst v16  }
0x13c: {  	v14 =	vld.idx.msk [tilespmem:v0+s29+$0xFFFFFF80], $0xffff;
	[tilespmem:s7+$0xFFFFFF90] =	vst v17;
	s29 =	sadd.s32 $0x100, s29  }
0x13d: {  	[tilespmem:s7+$0xFFFFFFA0] =	vst v9  }
0x13e: {  	[tilespmem:s7+$0xFFFFFFB0] =	vst v10  }
0x13f: {  	[tilespmem:s7+$0xFFFFFFC0] =	vst v11  }
0x140: {  	[tilespmem:s7+$0xFFFFFFD0] =	vst v12  }
0x141: {  	[tilespmem:s7+$0xFFFFFFE0] =	vst v13  }
0x142: {  	s28 =	sadd.s32 s28, s4;
	[tilespmem:s7+$0xFFFFFFF0] =	vst v8  }
0x143: {  	s11 =	sadd.s32 $0x400, s28;
	[tilespmem:s7+$0xFFFFFF80] =	vst v14  }
0x144: {  	[hbm4b:s11+s5] =	stream.linear.scatter [tilespmem:s10], [sflag:$0x6], $0x2000, $0x38;
	[tilespmem:$0x10080] =	vst v63  }
0x145: {  	s11 =	sadd.s32 s26, s20  }
0x146: {  	s7 =	sshrl.u32 s11, $0x3  }
0x147: {  	s7 =	sadd.s32 s1, s7  }
0x148: {  	[tilespmem:s31], [sflag:$0x2] =	stream.linear.gather [hbm4b:s7+s5], $0x2000, $0x38;
	[tilespmem:$0x10080] =	vst v63  }
0x149: {  	_ =	swait.ge [sflag:s12], $0x2000  }
0x14a: {  	[sflag:s12] =	ssyncset.done $0x0  }
0x14b: {  	[sflag:s12] =	ssyncadd.s32 $0xFFFFE000  }
0x14c: {  	_ =	swait.ge [sflag:s18], $0x2000  }
0x14d: {  	[sflag:s18] =	ssyncset.done $0x0  }
0x14e: {  	s11 =	simm.s32 $0x4100;
	[sflag:s18] =	ssyncadd.s32 $0xFFFFE000  }
0x14f: {  	v8 =	vld.idx.msk [tilespmem:v0+s11+$0x0], $0xffff  }
0x150: {  	v9 =	vld.idx.msk [tilespmem:v1+s11+$0x0], $0xffff  }
0x151: {  	v10 =	vld.idx.msk [tilespmem:v2+s11+$0x0], $0xffff  }
0x152: {  	v11 =	vld.idx.msk [tilespmem:v3+s11+$0x0], $0xffff  }
0x153: {  	v12 =	vld.idx.msk [tilespmem:v4+s11+$0x0], $0xffff  }
0x154: {  	v13 =	vld.idx.msk [tilespmem:v5+s11+$0x0], $0xffff  }
0x155: {  	s7 =	simm.s32 $0xC100;
	v14 =	vld.idx.msk [tilespmem:v6+s11+$0x0], $0xffff  }
0x156: {  	v15 =	vld.idx.msk [tilespmem:v7+s11+$0x0], $0xffff;
	[tilespmem:s7+$0x70] =	vst v9  }
0x157: {  	v16 =	vld.idx.msk [tilespmem:v2+s11+$0xFFFFFF80], $0xffff;
	[tilespmem:s7+$0x0] =	vst v8  }
0x158: {  	v9 =	vld.idx.msk [tilespmem:v3+s11+$0xFFFFFF80], $0xffff;
	[tilespmem:s7+$0x10] =	vst v10  }
0x159: {  	v10 =	vld.idx.msk [tilespmem:v4+s11+$0xFFFFFF80], $0xffff;
	[tilespmem:s7+$0x20] =	vst v11  }
0x15a: {  	v11 =	vld.idx.msk [tilespmem:v5+s11+$0xFFFFFF80], $0xffff;
	[tilespmem:s7+$0x30] =	vst v12  }
0x15b: {  	v12 =	vld.idx.msk [tilespmem:v6+s11+$0xFFFFFF80], $0xffff;
	[tilespmem:s7+$0x40] =	vst v13  }
0x15c: {  	v13 =	vld.idx.msk [tilespmem:v7+s11+$0xFFFFFF80], $0xffff;
	[tilespmem:s7+$0x50] =	vst v14  }
0x15d: {  	v8 =	vld.idx.msk [tilespmem:v1+s11+$0xFFFFFF80], $0xffff;
	[tilespmem:s7+$0x60] =	vst v15  }
0x15e: {  	s29 =	simm.s32 $0x4200;
	v14 =	vld.idx.msk [tilespmem:v0+s11+$0xFFFFFF80], $0xffff;
	s11 =	simm.s32 $0x0;
	[tilespmem:s7+$0xFFFFFF90] =	vst v16  }
.LBB2_15:
0x15f: {  	v15 =	vld.idx.msk [tilespmem:v0+s29+$0x0], $0xffff;
	[tilespmem:s7+$0xFFFFFFA0] =	vst v9  }
0x160: {  	s11 =	sadd.s32 $0x2, s11;
	v9 =	vld.idx.msk [tilespmem:v1+s29+$0x0], $0xffff;
	[tilespmem:s7+$0xFFFFFFB0] =	vst v10  }
0x161: {  	p0 =	slt.u32 s11, $0x3E;
	v10 =	vld.idx.msk [tilespmem:v2+s29+$0x0], $0xffff;
	[tilespmem:s7+$0xFFFFFFC0] =	vst v11  }
0x162: {  	v11 =	vld.idx.msk [tilespmem:v3+s29+$0x0], $0xffff;
	[tilespmem:s7+$0xFFFFFFD0] =	vst v12  }
0x163: {  	v12 =	vld.idx.msk [tilespmem:v4+s29+$0x0], $0xffff;
	[tilespmem:s7+$0xFFFFFFE0] =	vst v13  }
0x164: {  	v13 =	vld.idx.msk [tilespmem:v5+s29+$0x0], $0xffff;
	[tilespmem:s7+$0xFFFFFF80] =	vst v14  }
0x165: {  	v14 =	vld.idx.msk [tilespmem:v6+s29+$0x0], $0xffff;
	[tilespmem:s7+$0xFFFFFFF0] =	vst v8;
	s7 =	sadd.s32 $0x100, s7  }
0x166: {  	v16 =	vld.idx.msk [tilespmem:v7+s29+$0x0], $0xffff;
	[tilespmem:s7+$0x70] =	vst v9  }
0x167: {  	v17 =	vld.idx.msk [tilespmem:v2+s29+$0xFFFFFF80], $0xffff;
	[tilespmem:s7+$0x0] =	vst v15  }
0x168: {  	v9 =	vld.idx.msk [tilespmem:v3+s29+$0xFFFFFF80], $0xffff;
	[tilespmem:s7+$0x10] =	vst v10  }
0x169: {  	v10 =	vld.idx.msk [tilespmem:v4+s29+$0xFFFFFF80], $0xffff;
	[tilespmem:s7+$0x20] =	vst v11  }
.Ltmp6:
0x16a: {  	v11 =	vld.idx.msk [tilespmem:v5+s29+$0xFFFFFF80], $0xffff;
	[tilespmem:s7+$0x30] =	vst v12;
	(pc) =	sbr.rel @p0 .LBB2_15-.Ltmp6, $4  }
0x16b: {  	v12 =	vld.idx.msk [tilespmem:v6+s29+$0xFFFFFF80], $0xffff;
	[tilespmem:s7+$0x40] =	vst v13  }
0x16c: {  	v13 =	vld.idx.msk [tilespmem:v7+s29+$0xFFFFFF80], $0xffff;
	[tilespmem:s7+$0x50] =	vst v14  }
0x16d: {  	v8 =	vld.idx.msk [tilespmem:v1+s29+$0xFFFFFF80], $0xffff;
	[tilespmem:s7+$0x60] =	vst v16  }
0x16e: {  	v14 =	vld.idx.msk [tilespmem:v0+s29+$0xFFFFFF80], $0xffff;
	[tilespmem:s7+$0xFFFFFF90] =	vst v17;
	s29 =	sadd.s32 $0x100, s29  }
0x16f: {  	[tilespmem:s7+$0xFFFFFFA0] =	vst v9  }
0x170: {  	[tilespmem:s7+$0xFFFFFFB0] =	vst v10  }
0x171: {  	[tilespmem:s7+$0xFFFFFFC0] =	vst v11  }
0x172: {  	[tilespmem:s7+$0xFFFFFFD0] =	vst v12  }
0x173: {  	[tilespmem:s7+$0xFFFFFFE0] =	vst v13  }
0x174: {  	[tilespmem:s7+$0xFFFFFFF0] =	vst v8  }
0x175: {  	s11 =	sadd.s32 $0x800, s28;
	[tilespmem:s7+$0xFFFFFF80] =	vst v14  }
0x176: {  	[hbm4b:s11+s5] =	stream.linear.scatter [tilespmem:s13], [sflag:$0x7], $0x2000, $0x38;
	[tilespmem:$0x10080] =	vst v63  }
0x177: {  	s11 =	sadd.s32 s26, s21  }
0x178: {  	s7 =	sshrl.u32 s11, $0x3  }
0x179: {  	s7 =	sadd.s32 s1, s7  }
0x17a: {  	[tilespmem:s0], [sflag:$0x3] =	stream.linear.gather [hbm4b:s7+s5], $0x2000, $0x38;
	[tilespmem:$0x10080] =	vst v63  }
0x17b: {  	_ =	swait.ge [sflag:s14], $0x2000  }
0x17c: {  	[sflag:s14] =	ssyncset.done $0x0  }
0x17d: {  	[sflag:s14] =	ssyncadd.s32 $0xFFFFE000  }
0x17e: {  	_ =	swait.ge [sflag:s23], $0x2000  }
0x17f: {  	[sflag:s23] =	ssyncset.done $0x0  }
0x180: {  	s11 =	simm.s32 $0x6100;
	[sflag:s23] =	ssyncadd.s32 $0xFFFFE000  }
0x181: {  	v8 =	vld.idx.msk [tilespmem:v0+s11+$0x0], $0xffff  }
0x182: {  	v9 =	vld.idx.msk [tilespmem:v1+s11+$0x0], $0xffff  }
0x183: {  	v10 =	vld.idx.msk [tilespmem:v2+s11+$0x0], $0xffff  }
0x184: {  	v11 =	vld.idx.msk [tilespmem:v3+s11+$0x0], $0xffff  }
0x185: {  	v12 =	vld.idx.msk [tilespmem:v4+s11+$0x0], $0xffff  }
0x186: {  	v13 =	vld.idx.msk [tilespmem:v5+s11+$0x0], $0xffff  }
0x187: {  	s7 =	simm.s32 $0xE100;
	v14 =	vld.idx.msk [tilespmem:v6+s11+$0x0], $0xffff  }
0x188: {  	v15 =	vld.idx.msk [tilespmem:v7+s11+$0x0], $0xffff;
	[tilespmem:s7+$0x70] =	vst v9  }
0x189: {  	v16 =	vld.idx.msk [tilespmem:v2+s11+$0xFFFFFF80], $0xffff;
	[tilespmem:s7+$0x0] =	vst v8  }
0x18a: {  	v9 =	vld.idx.msk [tilespmem:v3+s11+$0xFFFFFF80], $0xffff;
	[tilespmem:s7+$0x10] =	vst v10  }
0x18b: {  	v10 =	vld.idx.msk [tilespmem:v4+s11+$0xFFFFFF80], $0xffff;
	[tilespmem:s7+$0x20] =	vst v11  }
0x18c: {  	v11 =	vld.idx.msk [tilespmem:v5+s11+$0xFFFFFF80], $0xffff;
	[tilespmem:s7+$0x30] =	vst v12  }
0x18d: {  	v12 =	vld.idx.msk [tilespmem:v6+s11+$0xFFFFFF80], $0xffff;
	[tilespmem:s7+$0x40] =	vst v13  }
0x18e: {  	v13 =	vld.idx.msk [tilespmem:v7+s11+$0xFFFFFF80], $0xffff;
	[tilespmem:s7+$0x50] =	vst v14  }
0x18f: {  	v8 =	vld.idx.msk [tilespmem:v1+s11+$0xFFFFFF80], $0xffff;
	[tilespmem:s7+$0x60] =	vst v15  }
0x190: {  	s29 =	simm.s32 $0x6200;
	v14 =	vld.idx.msk [tilespmem:v0+s11+$0xFFFFFF80], $0xffff;
	s11 =	simm.s32 $0x0;
	[tilespmem:s7+$0xFFFFFF90] =	vst v16  }
.LBB2_17:
0x191: {  	v15 =	vld.idx.msk [tilespmem:v0+s29+$0x0], $0xffff;
	[tilespmem:s7+$0xFFFFFFA0] =	vst v9  }
0x192: {  	s11 =	sadd.s32 $0x2, s11;
	v9 =	vld.idx.msk [tilespmem:v1+s29+$0x0], $0xffff;
	[tilespmem:s7+$0xFFFFFFB0] =	vst v10  }
0x193: {  	p0 =	slt.u32 s11, $0x3E;
	v10 =	vld.idx.msk [tilespmem:v2+s29+$0x0], $0xffff;
	[tilespmem:s7+$0xFFFFFFC0] =	vst v11  }
0x194: {  	v11 =	vld.idx.msk [tilespmem:v3+s29+$0x0], $0xffff;
	[tilespmem:s7+$0xFFFFFFD0] =	vst v12  }
0x195: {  	v12 =	vld.idx.msk [tilespmem:v4+s29+$0x0], $0xffff;
	[tilespmem:s7+$0xFFFFFFE0] =	vst v13  }
0x196: {  	v13 =	vld.idx.msk [tilespmem:v5+s29+$0x0], $0xffff;
	[tilespmem:s7+$0xFFFFFF80] =	vst v14  }
0x197: {  	v14 =	vld.idx.msk [tilespmem:v6+s29+$0x0], $0xffff;
	[tilespmem:s7+$0xFFFFFFF0] =	vst v8;
	s7 =	sadd.s32 $0x100, s7  }
0x198: {  	v16 =	vld.idx.msk [tilespmem:v7+s29+$0x0], $0xffff;
	[tilespmem:s7+$0x70] =	vst v9  }
0x199: {  	v17 =	vld.idx.msk [tilespmem:v2+s29+$0xFFFFFF80], $0xffff;
	[tilespmem:s7+$0x0] =	vst v15  }
0x19a: {  	v9 =	vld.idx.msk [tilespmem:v3+s29+$0xFFFFFF80], $0xffff;
	[tilespmem:s7+$0x10] =	vst v10  }
0x19b: {  	v10 =	vld.idx.msk [tilespmem:v4+s29+$0xFFFFFF80], $0xffff;
	[tilespmem:s7+$0x20] =	vst v11  }
.Ltmp7:
0x19c: {  	v11 =	vld.idx.msk [tilespmem:v5+s29+$0xFFFFFF80], $0xffff;
	[tilespmem:s7+$0x30] =	vst v12;
	(pc) =	sbr.rel @p0 .LBB2_17-.Ltmp7, $4  }
0x19d: {  	v12 =	vld.idx.msk [tilespmem:v6+s29+$0xFFFFFF80], $0xffff;
	[tilespmem:s7+$0x40] =	vst v13  }
0x19e: {  	v13 =	vld.idx.msk [tilespmem:v7+s29+$0xFFFFFF80], $0xffff;
	[tilespmem:s7+$0x50] =	vst v14  }
0x19f: {  	v8 =	vld.idx.msk [tilespmem:v1+s29+$0xFFFFFF80], $0xffff;
	[tilespmem:s7+$0x60] =	vst v16  }
0x1a0: {  	v14 =	vld.idx.msk [tilespmem:v0+s29+$0xFFFFFF80], $0xffff;
	[tilespmem:s7+$0xFFFFFF90] =	vst v17;
	s29 =	sadd.s32 $0x100, s29  }
0x1a1: {  	[tilespmem:s7+$0xFFFFFFA0] =	vst v9  }
0x1a2: {  	[tilespmem:s7+$0xFFFFFFB0] =	vst v10  }
0x1a3: {  	[tilespmem:s7+$0xFFFFFFC0] =	vst v11  }
0x1a4: {  	s25 =	sadd.s32 $0x1, s25;
	[tilespmem:s7+$0xFFFFFFD0] =	vst v12  }
0x1a5: {  	p0 =	sne.s32 s25, $0x1F;
	[tilespmem:s7+$0xFFFFFFE0] =	vst v13  }
.Ltmp8:
0x1a6: {  	s29 =	sadd.s32 s26, s22;
	[tilespmem:s7+$0xFFFFFFF0] =	vst v8;
	(pc) =	sbr.rel @p0 .LBB2_10-.Ltmp8, $4  }
0x1a7: {  	s28 =	sadd.s32 $0xC00, s28;
	[tilespmem:s7+$0xFFFFFF80] =	vst v14;
	s7 =	sshrl.u32 s29, $0x3  }
0x1a8: {  	[hbm4b:s28+s5] =	stream.linear.scatter [tilespmem:s15], [sflag:$0x8], $0x2000, $0x38;
	[tilespmem:$0x10080] =	vst v63  }
0x1a9: {  	s7 =	sadd.s32 s1, s7  }
0x1aa: {  	[tilespmem:s3], [sflag:$0x4] =	stream.linear.gather [hbm4b:s7+s5], $0x2000, $0x38;
	[tilespmem:$0x10080] =	vst v63  }
0x1ab: {  	_ =	swait.ge [sflag:s2], $0x2000  }
0x1ac: {  	[sflag:s2] =	ssyncset.done $0x0  }
0x1ad: {  	[sflag:s2] =	ssyncadd.s32 $0xFFFFE000  }
0x1ae: {  	_ =	swait.ge [sflag:s16], $0x2000  }
0x1af: {  	[sflag:s16] =	ssyncset.done $0x0  }
0x1b0: {  	s11 =	simm.s32 $0x100;
	[sflag:s16] =	ssyncadd.s32 $0xFFFFE000  }
0x1b1: {  	v8 =	vld.idx.msk [tilespmem:v0+s11+$0x0], $0xffff  }
0x1b2: {  	v9 =	vld.idx.msk [tilespmem:v1+s11+$0x0], $0xffff  }
0x1b3: {  	v10 =	vld.idx.msk [tilespmem:v2+s11+$0x0], $0xffff  }
0x1b4: {  	v11 =	vld.idx.msk [tilespmem:v3+s11+$0x0], $0xffff  }
0x1b5: {  	v12 =	vld.idx.msk [tilespmem:v4+s11+$0x0], $0xffff  }
0x1b6: {  	v13 =	vld.idx.msk [tilespmem:v5+s11+$0x0], $0xffff  }
0x1b7: {  	s7 =	simm.s32 $0x8100;
	v14 =	vld.idx.msk [tilespmem:v6+s11+$0x0], $0xffff  }
0x1b8: {  	v15 =	vld.idx.msk [tilespmem:v7+s11+$0x0], $0xffff;
	[tilespmem:s7+$0x70] =	vst v9  }
0x1b9: {  	v16 =	vld.idx.msk [tilespmem:v2+s11+$0xFFFFFF80], $0xffff;
	[tilespmem:s7+$0x0] =	vst v8  }
0x1ba: {  	v9 =	vld.idx.msk [tilespmem:v3+s11+$0xFFFFFF80], $0xffff;
	[tilespmem:s7+$0x10] =	vst v10  }
0x1bb: {  	v10 =	vld.idx.msk [tilespmem:v4+s11+$0xFFFFFF80], $0xffff;
	[tilespmem:s7+$0x20] =	vst v11  }
0x1bc: {  	v11 =	vld.idx.msk [tilespmem:v5+s11+$0xFFFFFF80], $0xffff;
	[tilespmem:s7+$0x30] =	vst v12  }
0x1bd: {  	v12 =	vld.idx.msk [tilespmem:v6+s11+$0xFFFFFF80], $0xffff;
	[tilespmem:s7+$0x40] =	vst v13  }
0x1be: {  	v13 =	vld.idx.msk [tilespmem:v7+s11+$0xFFFFFF80], $0xffff;
	[tilespmem:s7+$0x50] =	vst v14  }
0x1bf: {  	v8 =	vld.idx.msk [tilespmem:v1+s11+$0xFFFFFF80], $0xffff;
	[tilespmem:s7+$0x60] =	vst v15  }
0x1c0: {  	s25 =	simm.s32 $0x200;
	v14 =	vld.idx.msk [tilespmem:v0+s11+$0xFFFFFF80], $0xffff;
	s11 =	simm.s32 $0x0;
	[tilespmem:s7+$0xFFFFFF90] =	vst v16  }
.LBB2_20:
0x1c1: {  	v15 =	vld.idx.msk [tilespmem:v0+s25+$0x0], $0xffff;
	[tilespmem:s7+$0xFFFFFFA0] =	vst v9  }
0x1c2: {  	s11 =	sadd.s32 $0x2, s11;
	v9 =	vld.idx.msk [tilespmem:v1+s25+$0x0], $0xffff;
	[tilespmem:s7+$0xFFFFFFB0] =	vst v10  }
0x1c3: {  	p0 =	slt.u32 s11, $0x3E;
	v10 =	vld.idx.msk [tilespmem:v2+s25+$0x0], $0xffff;
	[tilespmem:s7+$0xFFFFFFC0] =	vst v11  }
0x1c4: {  	v11 =	vld.idx.msk [tilespmem:v3+s25+$0x0], $0xffff;
	[tilespmem:s7+$0xFFFFFFD0] =	vst v12  }
0x1c5: {  	v12 =	vld.idx.msk [tilespmem:v4+s25+$0x0], $0xffff;
	[tilespmem:s7+$0xFFFFFFE0] =	vst v13  }
0x1c6: {  	v13 =	vld.idx.msk [tilespmem:v5+s25+$0x0], $0xffff;
	[tilespmem:s7+$0xFFFFFF80] =	vst v14  }
0x1c7: {  	v14 =	vld.idx.msk [tilespmem:v6+s25+$0x0], $0xffff;
	[tilespmem:s7+$0xFFFFFFF0] =	vst v8;
	s7 =	sadd.s32 $0x100, s7  }
0x1c8: {  	v16 =	vld.idx.msk [tilespmem:v7+s25+$0x0], $0xffff;
	[tilespmem:s7+$0x70] =	vst v9  }
0x1c9: {  	v17 =	vld.idx.msk [tilespmem:v2+s25+$0xFFFFFF80], $0xffff;
	[tilespmem:s7+$0x0] =	vst v15  }
0x1ca: {  	v9 =	vld.idx.msk [tilespmem:v3+s25+$0xFFFFFF80], $0xffff;
	[tilespmem:s7+$0x10] =	vst v10  }
0x1cb: {  	v10 =	vld.idx.msk [tilespmem:v4+s25+$0xFFFFFF80], $0xffff;
	[tilespmem:s7+$0x20] =	vst v11  }
.Ltmp9:
0x1cc: {  	v11 =	vld.idx.msk [tilespmem:v5+s25+$0xFFFFFF80], $0xffff;
	[tilespmem:s7+$0x30] =	vst v12;
	(pc) =	sbr.rel @p0 .LBB2_20-.Ltmp9, $4  }
0x1cd: {  	v12 =	vld.idx.msk [tilespmem:v6+s25+$0xFFFFFF80], $0xffff;
	[tilespmem:s7+$0x40] =	vst v13  }
0x1ce: {  	v13 =	vld.idx.msk [tilespmem:v7+s25+$0xFFFFFF80], $0xffff;
	[tilespmem:s7+$0x50] =	vst v14  }
0x1cf: {  	v8 =	vld.idx.msk [tilespmem:v1+s25+$0xFFFFFF80], $0xffff;
	[tilespmem:s7+$0x60] =	vst v16  }
0x1d0: {  	v14 =	vld.idx.msk [tilespmem:v0+s25+$0xFFFFFF80], $0xffff;
	[tilespmem:s7+$0xFFFFFF90] =	vst v17;
	s25 =	sadd.s32 $0x100, s25  }
0x1d1: {  	[tilespmem:s7+$0xFFFFFFA0] =	vst v9  }
0x1d2: {  	[tilespmem:s7+$0xFFFFFFB0] =	vst v10  }
0x1d3: {  	[tilespmem:s7+$0xFFFFFFC0] =	vst v11  }
0x1d4: {  	[tilespmem:s7+$0xFFFFFFD0] =	vst v12  }
0x1d5: {  	[tilespmem:s7+$0xFFFFFFE0] =	vst v13  }
0x1d6: {  	[tilespmem:s7+$0xFFFFFFF0] =	vst v8  }
0x1d7: {  	[tilespmem:s7+$0xFFFFFF80] =	vst v14  }
0x1d8: {  	s7 =	rddreg [dreg:$0x10]  }
0x1d9: {  	[hbm4b:s7+s5] =	stream.linear.scatter [tilespmem:s8], [sflag:$0x5], $0x2000, $0x38;
	[tilespmem:$0x10080] =	vst v63  }
0x1da: {  	_ =	swait.ge [sflag:s9], $0x2000  }
0x1db: {  	[sflag:s9] =	ssyncset.done $0x0  }
0x1dc: {  	[sflag:s9] =	ssyncadd.s32 $0xFFFFE000  }
0x1dd: {  	_ =	swait.ge [sflag:s17], $0x2000  }
0x1de: {  	[sflag:s17] =	ssyncset.done $0x0  }
0x1df: {  	s11 =	simm.s32 $0x2100;
	[sflag:s17] =	ssyncadd.s32 $0xFFFFE000  }
0x1e0: {  	v8 =	vld.idx.msk [tilespmem:v0+s11+$0x0], $0xffff  }
0x1e1: {  	v9 =	vld.idx.msk [tilespmem:v1+s11+$0x0], $0xffff  }
0x1e2: {  	v10 =	vld.idx.msk [tilespmem:v2+s11+$0x0], $0xffff  }
0x1e3: {  	v11 =	vld.idx.msk [tilespmem:v3+s11+$0x0], $0xffff  }
0x1e4: {  	v12 =	vld.idx.msk [tilespmem:v4+s11+$0x0], $0xffff  }
0x1e5: {  	v13 =	vld.idx.msk [tilespmem:v5+s11+$0x0], $0xffff  }
0x1e6: {  	s7 =	simm.s32 $0xA100;
	v14 =	vld.idx.msk [tilespmem:v6+s11+$0x0], $0xffff  }
0x1e7: {  	v15 =	vld.idx.msk [tilespmem:v7+s11+$0x0], $0xffff;
	[tilespmem:s7+$0x70] =	vst v9  }
0x1e8: {  	v16 =	vld.idx.msk [tilespmem:v2+s11+$0xFFFFFF80], $0xffff;
	[tilespmem:s7+$0x0] =	vst v8  }
0x1e9: {  	v9 =	vld.idx.msk [tilespmem:v3+s11+$0xFFFFFF80], $0xffff;
	[tilespmem:s7+$0x10] =	vst v10  }
0x1ea: {  	v10 =	vld.idx.msk [tilespmem:v4+s11+$0xFFFFFF80], $0xffff;
	[tilespmem:s7+$0x20] =	vst v11  }
0x1eb: {  	v11 =	vld.idx.msk [tilespmem:v5+s11+$0xFFFFFF80], $0xffff;
	[tilespmem:s7+$0x30] =	vst v12  }
0x1ec: {  	v12 =	vld.idx.msk [tilespmem:v6+s11+$0xFFFFFF80], $0xffff;
	[tilespmem:s7+$0x40] =	vst v13  }
0x1ed: {  	v13 =	vld.idx.msk [tilespmem:v7+s11+$0xFFFFFF80], $0xffff;
	[tilespmem:s7+$0x50] =	vst v14  }
0x1ee: {  	v8 =	vld.idx.msk [tilespmem:v1+s11+$0xFFFFFF80], $0xffff;
	[tilespmem:s7+$0x60] =	vst v15  }
0x1ef: {  	s25 =	simm.s32 $0x2200;
	v14 =	vld.idx.msk [tilespmem:v0+s11+$0xFFFFFF80], $0xffff;
	s11 =	simm.s32 $0x0;
	[tilespmem:s7+$0xFFFFFF90] =	vst v16  }
.LBB2_22:
0x1f0: {  	v15 =	vld.idx.msk [tilespmem:v0+s25+$0x0], $0xffff;
	[tilespmem:s7+$0xFFFFFFA0] =	vst v9  }
0x1f1: {  	s11 =	sadd.s32 $0x2, s11;
	v9 =	vld.idx.msk [tilespmem:v1+s25+$0x0], $0xffff;
	[tilespmem:s7+$0xFFFFFFB0] =	vst v10  }
0x1f2: {  	p0 =	slt.u32 s11, $0x3E;
	v10 =	vld.idx.msk [tilespmem:v2+s25+$0x0], $0xffff;
	[tilespmem:s7+$0xFFFFFFC0] =	vst v11  }
0x1f3: {  	v11 =	vld.idx.msk [tilespmem:v3+s25+$0x0], $0xffff;
	[tilespmem:s7+$0xFFFFFFD0] =	vst v12  }
0x1f4: {  	v12 =	vld.idx.msk [tilespmem:v4+s25+$0x0], $0xffff;
	[tilespmem:s7+$0xFFFFFFE0] =	vst v13  }
0x1f5: {  	v13 =	vld.idx.msk [tilespmem:v5+s25+$0x0], $0xffff;
	[tilespmem:s7+$0xFFFFFF80] =	vst v14  }
0x1f6: {  	v14 =	vld.idx.msk [tilespmem:v6+s25+$0x0], $0xffff;
	[tilespmem:s7+$0xFFFFFFF0] =	vst v8;
	s7 =	sadd.s32 $0x100, s7  }
0x1f7: {  	v16 =	vld.idx.msk [tilespmem:v7+s25+$0x0], $0xffff;
	[tilespmem:s7+$0x70] =	vst v9  }
0x1f8: {  	v17 =	vld.idx.msk [tilespmem:v2+s25+$0xFFFFFF80], $0xffff;
	[tilespmem:s7+$0x0] =	vst v15  }
0x1f9: {  	v9 =	vld.idx.msk [tilespmem:v3+s25+$0xFFFFFF80], $0xffff;
	[tilespmem:s7+$0x10] =	vst v10  }
0x1fa: {  	v10 =	vld.idx.msk [tilespmem:v4+s25+$0xFFFFFF80], $0xffff;
	[tilespmem:s7+$0x20] =	vst v11  }
.Ltmp10:
0x1fb: {  	v11 =	vld.idx.msk [tilespmem:v5+s25+$0xFFFFFF80], $0xffff;
	[tilespmem:s7+$0x30] =	vst v12;
	(pc) =	sbr.rel @p0 .LBB2_22-.Ltmp10, $4  }
0x1fc: {  	v12 =	vld.idx.msk [tilespmem:v6+s25+$0xFFFFFF80], $0xffff;
	[tilespmem:s7+$0x40] =	vst v13  }
0x1fd: {  	v13 =	vld.idx.msk [tilespmem:v7+s25+$0xFFFFFF80], $0xffff;
	[tilespmem:s7+$0x50] =	vst v14  }
0x1fe: {  	v8 =	vld.idx.msk [tilespmem:v1+s25+$0xFFFFFF80], $0xffff;
	[tilespmem:s7+$0x60] =	vst v16  }
0x1ff: {  	v14 =	vld.idx.msk [tilespmem:v0+s25+$0xFFFFFF80], $0xffff;
	[tilespmem:s7+$0xFFFFFF90] =	vst v17;
	s25 =	sadd.s32 $0x100, s25  }
0x200: {  	[tilespmem:s7+$0xFFFFFFA0] =	vst v9  }
0x201: {  	[tilespmem:s7+$0xFFFFFFB0] =	vst v10  }
0x202: {  	[tilespmem:s7+$0xFFFFFFC0] =	vst v11  }
0x203: {  	[tilespmem:s7+$0xFFFFFFD0] =	vst v12  }
0x204: {  	[tilespmem:s7+$0xFFFFFFE0] =	vst v13  }
0x205: {  	[tilespmem:s7+$0xFFFFFFF0] =	vst v8  }
0x206: {  	[tilespmem:s7+$0xFFFFFF80] =	vst v14  }
0x207: {  	s7 =	rddreg [dreg:$0x11]  }
0x208: {  	[hbm4b:s7+s5] =	stream.linear.scatter [tilespmem:s10], [sflag:$0x6], $0x2000, $0x38;
	[tilespmem:$0x10080] =	vst v63  }
0x209: {  	_ =	swait.ge [sflag:s12], $0x2000  }
0x20a: {  	[sflag:s12] =	ssyncset.done $0x0  }
0x20b: {  	[sflag:s12] =	ssyncadd.s32 $0xFFFFE000  }
0x20c: {  	_ =	swait.ge [sflag:s18], $0x2000  }
0x20d: {  	[sflag:s18] =	ssyncset.done $0x0  }
0x20e: {  	s11 =	simm.s32 $0x4100;
	[sflag:s18] =	ssyncadd.s32 $0xFFFFE000  }
0x20f: {  	v8 =	vld.idx.msk [tilespmem:v0+s11+$0x0], $0xffff  }
0x210: {  	v9 =	vld.idx.msk [tilespmem:v1+s11+$0x0], $0xffff  }
0x211: {  	v10 =	vld.idx.msk [tilespmem:v2+s11+$0x0], $0xffff  }
0x212: {  	v11 =	vld.idx.msk [tilespmem:v3+s11+$0x0], $0xffff  }
0x213: {  	v12 =	vld.idx.msk [tilespmem:v4+s11+$0x0], $0xffff  }
0x214: {  	v13 =	vld.idx.msk [tilespmem:v5+s11+$0x0], $0xffff  }
0x215: {  	s7 =	simm.s32 $0xC100;
	v14 =	vld.idx.msk [tilespmem:v6+s11+$0x0], $0xffff  }
0x216: {  	v15 =	vld.idx.msk [tilespmem:v7+s11+$0x0], $0xffff;
	[tilespmem:s7+$0x70] =	vst v9  }
0x217: {  	v16 =	vld.idx.msk [tilespmem:v2+s11+$0xFFFFFF80], $0xffff;
	[tilespmem:s7+$0x0] =	vst v8  }
0x218: {  	v9 =	vld.idx.msk [tilespmem:v3+s11+$0xFFFFFF80], $0xffff;
	[tilespmem:s7+$0x10] =	vst v10  }
0x219: {  	v10 =	vld.idx.msk [tilespmem:v4+s11+$0xFFFFFF80], $0xffff;
	[tilespmem:s7+$0x20] =	vst v11  }
0x21a: {  	v11 =	vld.idx.msk [tilespmem:v5+s11+$0xFFFFFF80], $0xffff;
	[tilespmem:s7+$0x30] =	vst v12  }
0x21b: {  	v12 =	vld.idx.msk [tilespmem:v6+s11+$0xFFFFFF80], $0xffff;
	[tilespmem:s7+$0x40] =	vst v13  }
0x21c: {  	v13 =	vld.idx.msk [tilespmem:v7+s11+$0xFFFFFF80], $0xffff;
	[tilespmem:s7+$0x50] =	vst v14  }
0x21d: {  	v8 =	vld.idx.msk [tilespmem:v1+s11+$0xFFFFFF80], $0xffff;
	[tilespmem:s7+$0x60] =	vst v15  }
0x21e: {  	s25 =	simm.s32 $0x4200;
	v14 =	vld.idx.msk [tilespmem:v0+s11+$0xFFFFFF80], $0xffff;
	s11 =	simm.s32 $0x0;
	[tilespmem:s7+$0xFFFFFF90] =	vst v16  }
.LBB2_24:
0x21f: {  	v15 =	vld.idx.msk [tilespmem:v0+s25+$0x0], $0xffff;
	[tilespmem:s7+$0xFFFFFFA0] =	vst v9  }
0x220: {  	s11 =	sadd.s32 $0x2, s11;
	v9 =	vld.idx.msk [tilespmem:v1+s25+$0x0], $0xffff;
	[tilespmem:s7+$0xFFFFFFB0] =	vst v10  }
0x221: {  	p0 =	slt.u32 s11, $0x3E;
	v10 =	vld.idx.msk [tilespmem:v2+s25+$0x0], $0xffff;
	[tilespmem:s7+$0xFFFFFFC0] =	vst v11  }
0x222: {  	v11 =	vld.idx.msk [tilespmem:v3+s25+$0x0], $0xffff;
	[tilespmem:s7+$0xFFFFFFD0] =	vst v12  }
0x223: {  	v12 =	vld.idx.msk [tilespmem:v4+s25+$0x0], $0xffff;
	[tilespmem:s7+$0xFFFFFFE0] =	vst v13  }
0x224: {  	v13 =	vld.idx.msk [tilespmem:v5+s25+$0x0], $0xffff;
	[tilespmem:s7+$0xFFFFFF80] =	vst v14  }
0x225: {  	v14 =	vld.idx.msk [tilespmem:v6+s25+$0x0], $0xffff;
	[tilespmem:s7+$0xFFFFFFF0] =	vst v8;
	s7 =	sadd.s32 $0x100, s7  }
0x226: {  	v16 =	vld.idx.msk [tilespmem:v7+s25+$0x0], $0xffff;
	[tilespmem:s7+$0x70] =	vst v9  }
0x227: {  	v17 =	vld.idx.msk [tilespmem:v2+s25+$0xFFFFFF80], $0xffff;
	[tilespmem:s7+$0x0] =	vst v15  }
0x228: {  	v9 =	vld.idx.msk [tilespmem:v3+s25+$0xFFFFFF80], $0xffff;
	[tilespmem:s7+$0x10] =	vst v10  }
0x229: {  	v10 =	vld.idx.msk [tilespmem:v4+s25+$0xFFFFFF80], $0xffff;
	[tilespmem:s7+$0x20] =	vst v11  }
.Ltmp11:
0x22a: {  	v11 =	vld.idx.msk [tilespmem:v5+s25+$0xFFFFFF80], $0xffff;
	[tilespmem:s7+$0x30] =	vst v12;
	(pc) =	sbr.rel @p0 .LBB2_24-.Ltmp11, $4  }
0x22b: {  	v12 =	vld.idx.msk [tilespmem:v6+s25+$0xFFFFFF80], $0xffff;
	[tilespmem:s7+$0x40] =	vst v13  }
0x22c: {  	v13 =	vld.idx.msk [tilespmem:v7+s25+$0xFFFFFF80], $0xffff;
	[tilespmem:s7+$0x50] =	vst v14  }
0x22d: {  	v8 =	vld.idx.msk [tilespmem:v1+s25+$0xFFFFFF80], $0xffff;
	[tilespmem:s7+$0x60] =	vst v16  }
0x22e: {  	v14 =	vld.idx.msk [tilespmem:v0+s25+$0xFFFFFF80], $0xffff;
	[tilespmem:s7+$0xFFFFFF90] =	vst v17;
	s25 =	sadd.s32 $0x100, s25  }
0x22f: {  	[tilespmem:s7+$0xFFFFFFA0] =	vst v9  }
0x230: {  	[tilespmem:s7+$0xFFFFFFB0] =	vst v10  }
0x231: {  	[tilespmem:s7+$0xFFFFFFC0] =	vst v11  }
0x232: {  	[tilespmem:s7+$0xFFFFFFD0] =	vst v12  }
0x233: {  	[tilespmem:s7+$0xFFFFFFE0] =	vst v13  }
0x234: {  	[tilespmem:s7+$0xFFFFFFF0] =	vst v8  }
0x235: {  	[tilespmem:s7+$0xFFFFFF80] =	vst v14  }
0x236: {  	s7 =	rddreg [dreg:$0x13]  }
0x237: {  	[hbm4b:s7+s5] =	stream.linear.scatter [tilespmem:s13], [sflag:$0x7], $0x2000, $0x38;
	[tilespmem:$0x10080] =	vst v63  }
0x238: {  	_ =	swait.ge [sflag:s14], $0x2000  }
0x239: {  	[sflag:s14] =	ssyncset.done $0x0  }
0x23a: {  	[sflag:s14] =	ssyncadd.s32 $0xFFFFE000  }
0x23b: {  	_ =	swait.ge [sflag:s23], $0x2000  }
0x23c: {  	[sflag:s23] =	ssyncset.done $0x0  }
0x23d: {  	s11 =	simm.s32 $0x6100;
	[sflag:s23] =	ssyncadd.s32 $0xFFFFE000  }
0x23e: {  	v8 =	vld.idx.msk [tilespmem:v0+s11+$0x0], $0xffff  }
0x23f: {  	v9 =	vld.idx.msk [tilespmem:v1+s11+$0x0], $0xffff  }
0x240: {  	v10 =	vld.idx.msk [tilespmem:v2+s11+$0x0], $0xffff  }
0x241: {  	v11 =	vld.idx.msk [tilespmem:v3+s11+$0x0], $0xffff  }
0x242: {  	v12 =	vld.idx.msk [tilespmem:v4+s11+$0x0], $0xffff  }
0x243: {  	v13 =	vld.idx.msk [tilespmem:v5+s11+$0x0], $0xffff  }
0x244: {  	s7 =	simm.s32 $0xE100;
	v14 =	vld.idx.msk [tilespmem:v6+s11+$0x0], $0xffff  }
0x245: {  	v15 =	vld.idx.msk [tilespmem:v7+s11+$0x0], $0xffff;
	[tilespmem:s7+$0x70] =	vst v9  }
0x246: {  	v16 =	vld.idx.msk [tilespmem:v2+s11+$0xFFFFFF80], $0xffff;
	[tilespmem:s7+$0x0] =	vst v8  }
0x247: {  	v9 =	vld.idx.msk [tilespmem:v3+s11+$0xFFFFFF80], $0xffff;
	[tilespmem:s7+$0x10] =	vst v10  }
0x248: {  	v10 =	vld.idx.msk [tilespmem:v4+s11+$0xFFFFFF80], $0xffff;
	[tilespmem:s7+$0x20] =	vst v11  }
0x249: {  	v11 =	vld.idx.msk [tilespmem:v5+s11+$0xFFFFFF80], $0xffff;
	[tilespmem:s7+$0x30] =	vst v12  }
0x24a: {  	v12 =	vld.idx.msk [tilespmem:v6+s11+$0xFFFFFF80], $0xffff;
	[tilespmem:s7+$0x40] =	vst v13  }
0x24b: {  	v13 =	vld.idx.msk [tilespmem:v7+s11+$0xFFFFFF80], $0xffff;
	[tilespmem:s7+$0x50] =	vst v14  }
0x24c: {  	v8 =	vld.idx.msk [tilespmem:v1+s11+$0xFFFFFF80], $0xffff;
	[tilespmem:s7+$0x60] =	vst v15  }
0x24d: {  	s25 =	simm.s32 $0x6200;
	v14 =	vld.idx.msk [tilespmem:v0+s11+$0xFFFFFF80], $0xffff;
	s11 =	simm.s32 $0x0;
	[tilespmem:s7+$0xFFFFFF90] =	vst v16  }
.LBB2_26:
0x24e: {  	v15 =	vld.idx.msk [tilespmem:v0+s25+$0x0], $0xffff;
	[tilespmem:s7+$0xFFFFFFA0] =	vst v9  }
0x24f: {  	s11 =	sadd.s32 $0x2, s11;
	v9 =	vld.idx.msk [tilespmem:v1+s25+$0x0], $0xffff;
	[tilespmem:s7+$0xFFFFFFB0] =	vst v10  }
0x250: {  	p0 =	slt.u32 s11, $0x3E;
	v10 =	vld.idx.msk [tilespmem:v2+s25+$0x0], $0xffff;
	[tilespmem:s7+$0xFFFFFFC0] =	vst v11  }
0x251: {  	v11 =	vld.idx.msk [tilespmem:v3+s25+$0x0], $0xffff;
	[tilespmem:s7+$0xFFFFFFD0] =	vst v12  }
0x252: {  	v12 =	vld.idx.msk [tilespmem:v4+s25+$0x0], $0xffff;
	[tilespmem:s7+$0xFFFFFFE0] =	vst v13  }
0x253: {  	v13 =	vld.idx.msk [tilespmem:v5+s25+$0x0], $0xffff;
	[tilespmem:s7+$0xFFFFFF80] =	vst v14  }
0x254: {  	v14 =	vld.idx.msk [tilespmem:v6+s25+$0x0], $0xffff;
	[tilespmem:s7+$0xFFFFFFF0] =	vst v8;
	s7 =	sadd.s32 $0x100, s7  }
0x255: {  	v16 =	vld.idx.msk [tilespmem:v7+s25+$0x0], $0xffff;
	[tilespmem:s7+$0x70] =	vst v9  }
0x256: {  	v17 =	vld.idx.msk [tilespmem:v2+s25+$0xFFFFFF80], $0xffff;
	[tilespmem:s7+$0x0] =	vst v15  }
0x257: {  	v9 =	vld.idx.msk [tilespmem:v3+s25+$0xFFFFFF80], $0xffff;
	[tilespmem:s7+$0x10] =	vst v10  }
0x258: {  	v10 =	vld.idx.msk [tilespmem:v4+s25+$0xFFFFFF80], $0xffff;
	[tilespmem:s7+$0x20] =	vst v11  }
.Ltmp12:
0x259: {  	v11 =	vld.idx.msk [tilespmem:v5+s25+$0xFFFFFF80], $0xffff;
	[tilespmem:s7+$0x30] =	vst v12;
	(pc) =	sbr.rel @p0 .LBB2_26-.Ltmp12, $4  }
0x25a: {  	v12 =	vld.idx.msk [tilespmem:v6+s25+$0xFFFFFF80], $0xffff;
	[tilespmem:s7+$0x40] =	vst v13  }
0x25b: {  	v13 =	vld.idx.msk [tilespmem:v7+s25+$0xFFFFFF80], $0xffff;
	[tilespmem:s7+$0x50] =	vst v14  }
0x25c: {  	v8 =	vld.idx.msk [tilespmem:v1+s25+$0xFFFFFF80], $0xffff;
	[tilespmem:s7+$0x60] =	vst v16  }
0x25d: {  	v14 =	vld.idx.msk [tilespmem:v0+s25+$0xFFFFFF80], $0xffff;
	[tilespmem:s7+$0xFFFFFF90] =	vst v17;
	s25 =	sadd.s32 $0x100, s25  }
0x25e: {  	[tilespmem:s7+$0xFFFFFFA0] =	vst v9  }
0x25f: {  	[tilespmem:s7+$0xFFFFFFB0] =	vst v10  }
0x260: {  	[tilespmem:s7+$0xFFFFFFC0] =	vst v11  }
0x261: {  	[tilespmem:s7+$0xFFFFFFD0] =	vst v12  }
0x262: {  	[tilespmem:s7+$0xFFFFFFE0] =	vst v13  }
0x263: {  	[tilespmem:s7+$0xFFFFFFF0] =	vst v8  }
0x264: {  	[tilespmem:s7+$0xFFFFFF80] =	vst v14  }
0x265: {  	s7 =	rddreg [dreg:$0x14]  }
0x266: {  	[hbm4b:s7+s5] =	stream.linear.scatter [tilespmem:s15], [sflag:$0x8], $0x2000, $0x38;
	[tilespmem:$0x10080] =	vst v63  }
0x267: {  	_ =	swait.ge [sflag:s16], $0x2000  }
0x268: {  	[sflag:s16] =	ssyncset.done $0x0  }
0x269: {  	[sflag:s16] =	ssyncadd.s32 $0xFFFFE000  }
0x26a: {  	_ =	swait.ge [sflag:s17], $0x2000  }
0x26b: {  	[sflag:s17] =	ssyncset.done $0x0  }
0x26c: {  	[sflag:s17] =	ssyncadd.s32 $0xFFFFE000  }
0x26d: {  	_ =	swait.ge [sflag:s18], $0x2000  }
0x26e: {  	[sflag:s18] =	ssyncset.done $0x0  }
0x26f: {  	[sflag:s18] =	ssyncadd.s32 $0xFFFFE000  }
0x270: {  	_ =	swait.ge [sflag:s23], $0x2000  }
0x271: {  	s24 =	sadd.s32 $0x1, s24;
	s29 =	rddreg [dreg:$0x12]  }
0x272: {  	p0 =	sne.s32 s24, s29  }
.Ltmp13:
0x273: {  	_ = 	snop;
	(pc) =	sbr.rel @p0 .LBB2_1-.Ltmp13, $3  }
0x274: {  	_ =	sdelay $0x1  }
0x275: {  	[sflag:s23] =	ssyncset.done $0x0  }
0x276: {  	[sflag:s23] =	ssyncadd.s32 $0xFFFFE000  }
0x277: {  	_ =	sfence.sel $0x180000  }
0x278: {  	[bflag:$0x0] =	sbarrier.arrive $0xFFFF  }
0x279: {  	_ =	strace $0x90000047  }
0x27a: {  	s0 =	stileid.u32;
	[bflag:$0x2] =	sbarrier.arrive $0xFFFF  }
0x27b: {  	p0 =	sne.s32 s0, $0x0;
	s0 =	rddreg [dreg:$0x3]  }
0x27c: {  	s0 =	sadd.s32 @!p0 $0x100000, s0  }
0x27d: {  	[sflag:s0] =	ssyncadd.tile.s32 @!p0 $0x1;
	_ =	shalt  }
.Lfunc_end2:
_tile_overlayer_lowered:
.L_overlay_start_2:
0x27e: {  	(tag) =	ssettag $0x2  }
0x27f: {  	s0 =	rddreg [dreg:$0x0];
	s2 =	stileid.u32  }
0x280: {  	s1 =	rddreg [dreg:$0x1];
	p0 =	sne.s32 s2, $0x0  }
0x281: {  	s3 =	rddreg [dreg:$0x2];
	[bflag:$0x3] =	sbarrier.arrive $0xFFFF;
	s2 =	simm.s32 @!p0 $0x1C09  }
0x282: {  	[timem:s3], [sflag:s2] =	dma.local @!p0 [hbm:s0], s1  }
0x283: {  	s0 =	simm.s32 @!p0 $0x9  }
0x284: {  	_ =	swait.ge @!p0 [sflag:s0], s1  }
0x285: {  	s1 =	ssub.s32 @!p0 $0x0, s1;
	[sflag:s0] =	ssyncset.done @!p0 $0x0  }
0x286: {  	[sflag:s0] =	ssyncadd.s32 @!p0 s1  }
0x287: {  	[bflag:$0x3] =	sbarrier.arrive $0xFFFF  }
0x288: {  	_ =	shalt  }

</sc_bundles>
